<compile_context>
chip_gen: v7x
topology: tpu7x:2x2x1
jax: 0.10.2.dev20260603
libtpu: 0.0.44.dev20260713+nightly
codegen_flags: <defaults>
</compile_context>

<pallas_src>
import jax
import jax.numpy as jnp
from jax import lax
from jax.experimental import pallas as pl
from jax.experimental.pallas import tpu as pltpu

B, T, DIN, HID, OUT, IMG = 8, 128, 112, 256, 64, 128
FEAT = DIN + 16
COMB = FEAT + HID
G4 = 4 * HID
BT = B * T
NCH = 8
CH = BT // NCH
NCHT = 4
CHT = BT // NCHT
K1G = 3 * 11 * 40
K2 = 16 * 3 * 16
M2 = 32 * 14


def _conv1_body(x_ref, w_ref, wb_ref, b_ref, out_ref):
    s = pl.program_id(1)
    parts = []
    for g in range(4):
        width = 40 if g < 3 else 32
        wg = w_ref if g < 3 else wb_ref
        strip = x_ref[:, pl.ds(4 * s, 11),
                      32 * g:32 * g + width, :].reshape(3 * 11 * width, CH)
        acc = lax.dot_general(wg[...], strip, (((1,), (0,)), ((), ())),
                              preferred_element_type=jnp.float32)
        acc = jnp.maximum(acc + b_ref[...], 0.0)
        parts.append(acc.astype(jnp.bfloat16).reshape(16, 2, 4, CH))
    out_ref[...] = jnp.concatenate(parts, axis=2)[:, None, None]


def _pool9(z00, z01, z10, z11, n):
    terms = [
        z00[:, 0:n, 0:n], z00[:, 0:n, 1:n + 1],
        z00[:, 1:n + 1, 0:n], z00[:, 1:n + 1, 1:n + 1],
        z01[:, 0:n, 0:n], z01[:, 1:n + 1, 0:n],
        z10[:, 0:n, 0:n], z10[:, 0:n, 1:n + 1],
        z11[:, 0:n, 0:n],
    ]
    r = terms[0]
    for t_ in terms[1:]:
        r = jnp.maximum(r, t_)
    return r


def _cnn_tail_body(y1_ref, w2_ref, b2_ref, wl_ref, bl_ref, feat_ref,
                   y1p_ref, y2_ref):
    p1 = _pool9(y1_ref[:, 0, :, 0], y1_ref[:, 0, :, 1],
                y1_ref[:, 1, :, 0], y1_ref[:, 1, :, 1], 14)
    y1p_ref[...] = jnp.zeros((16, 16, 16, CHT), jnp.bfloat16)
    y1p_ref[:, 1:15, 1:15, :] = p1
    for i in range(14):
        strip = y1p_ref[:, i:i + 3, :, :].reshape(K2, CHT)
        acc = lax.dot_general(w2_ref[...], strip, (((1,), (0,)), ((), ())),
                              preferred_element_type=jnp.float32)
        acc = jnp.maximum(acc + b2_ref[...], 0.0)
        y2_ref[:, i % 2, i // 2] = acc.astype(jnp.bfloat16).reshape(32, 2, 7, CHT)
    p2 = _pool9(y2_ref[:, 0, :, 0], y2_ref[:, 0, :, 1],
                y2_ref[:, 1, :, 0], y2_ref[:, 1, :, 1], 6)
    flat = p2.reshape(32 * 36, CHT)
    f = lax.dot_general(wl_ref[...], flat, (((1,), (0,)), ((), ())),
                        preferred_element_type=jnp.float32)
    feat_ref[...] = jnp.maximum(f + bl_ref[...], 0.0)


def _lstm_body(lens_ref, x_ref, wx_ref, wh_ref, b_ref, wy_ref, by_ref,
               y_ref, h_out_ref, xproj_ref):
    xproj_ref[...] = jnp.dot(x_ref[...], wx_ref[...],
                             preferred_element_type=jnp.float32)
    lens = lens_ref[...]
    tmax = jnp.max(lens)
    wh = wh_ref[...]
    bias = b_ref[...]

    def step(t, carry):
        h, c = carry
        g = (xproj_ref[pl.ds(t * B, B), :]
             + jnp.dot(h, wh, preferred_element_type=jnp.float32)
             + bias)
        f = jax.nn.sigmoid(g[:, :HID])
        i = jax.nn.sigmoid(g[:, HID:2 * HID])
        cbar = jnp.tanh(g[:, 2 * HID:3 * HID])
        o = jax.nn.sigmoid(g[:, 3 * HID:])
        cn = f * c + i * cbar
        hn = o * jnp.tanh(cn)
        m = lens > t
        return (jnp.where(m, hn, h), jnp.where(m, cn, c))

    h0 = jnp.zeros((B, HID), jnp.float32)
    c0 = jnp.zeros((B, HID), jnp.float32)
    h, c = lax.fori_loop(0, tmax, step, (h0, c0))
    y_ref[...] = jnp.dot(h, wy_ref[...],
                         preferred_element_type=jnp.float32) + by_ref[...]
    h_out_ref[...] = h


def _phase_perm(n):
    return jnp.concatenate([jnp.arange(0, n, 2), jnp.arange(1, n, 2)])


def _build_toeplitz1(w, width=40):
    col = jnp.arange(width)[None, :]
    l = jnp.arange(8)[:, None]
    dx = col - 4 * l
    valid = (dx >= 0) & (dx <= 10)
    dxc = jnp.clip(dx, 0, 10)
    g = w[:, :, :, dxc]
    g = jnp.where(valid[None, None, None], g, 0.0)
    g = g.transpose(0, 3, 1, 2, 4)
    g = g[:, _phase_perm(8)].reshape(128, 3 * 11 * width)
    return g.astype(jnp.bfloat16)


def _build_toeplitz2(w):
    col = jnp.arange(16)[None, :]
    j = jnp.arange(14)[:, None]
    dx = col - j
    valid = (dx >= 0) & (dx <= 2)
    dxc = jnp.clip(dx, 0, 2)
    g = w[:, :, :, dxc]
    g = jnp.where(valid[None, None, None], g, 0.0)
    g = g.transpose(0, 3, 1, 2, 4)
    g = g[:, _phase_perm(14)].reshape(448, K2)
    return g.astype(jnp.bfloat16)


@jax.jit
def kernel(datas, img, dataLens, conv1_w, conv1_b, conv2_w, conv2_b,
           lin_w, lin_b, Wf, bf, Wi, bi, Wc, bc, Wo, bo, Wy, by):
    x = img.reshape(BT, 3, IMG, IMG).transpose(1, 2, 3, 0).astype(jnp.bfloat16)
    w1t = _build_toeplitz1(conv1_w, 40)
    w1tb = _build_toeplitz1(conv1_w, 32)
    b1v = jnp.tile(conv1_b[:, None], (1, 8)).reshape(128, 1)
    w2t = _build_toeplitz2(conv2_w)
    b2v = jnp.tile(conv2_b[:, None], (1, 14)).reshape(M2, 1)
    wlt = lin_w.T.astype(jnp.bfloat16)
    blv = lin_b[:, None]

    y1 = pl.pallas_call(
        _conv1_body,
        grid=(NCH, 30),
        in_specs=[
            pl.BlockSpec((3, IMG, IMG, CH), lambda n, s: (0, 0, 0, n)),
            pl.BlockSpec((128, K1G), lambda n, s: (0, 0)),
            pl.BlockSpec((128, 3 * 11 * 32), lambda n, s: (0, 0)),
            pl.BlockSpec((128, 1), lambda n, s: (0, 0)),
        ],
        out_specs=pl.BlockSpec((16, 1, 1, 2, 16, CH),
                               lambda n, s: (0, s % 2, s // 2, 0, 0, n)),
        out_shape=jax.ShapeDtypeStruct((16, 2, 15, 2, 16, BT), jnp.bfloat16),
    )(x, w1t, w1tb, b1v)

    feat_t = pl.pallas_call(
        _cnn_tail_body,
        grid=(NCHT,),
        in_specs=[
            pl.BlockSpec((16, 2, 15, 2, 16, CHT), lambda n: (0, 0, 0, 0, 0, n)),
            pl.BlockSpec((M2, K2), lambda n: (0, 0)),
            pl.BlockSpec((M2, 1), lambda n: (0, 0)),
            pl.BlockSpec((16, 32 * 36), lambda n: (0, 0)),
            pl.BlockSpec((16, 1), lambda n: (0, 0)),
        ],
        out_specs=pl.BlockSpec((16, CHT), lambda n: (0, n)),
        out_shape=jax.ShapeDtypeStruct((16, BT), jnp.float32),
        scratch_shapes=[pltpu.VMEM((16, 16, 16, CHT), jnp.bfloat16),
                        pltpu.VMEM((32, 2, 7, 2, 7, CHT), jnp.bfloat16)],
    )(y1, w2t, b2v, wlt, blv)

    feat = feat_t.T.reshape(B, T, 16)
    xc = jnp.concatenate([feat, datas], axis=2)
    x_tm = xc.transpose(1, 0, 2).reshape(T * B, FEAT)

    wx = jnp.concatenate([Wf[:FEAT], Wi[:FEAT], Wc[:FEAT], Wo[:FEAT]], axis=1)
    wh = jnp.concatenate([Wf[FEAT:], Wi[FEAT:], Wc[FEAT:], Wo[FEAT:]], axis=1)
    bias = jnp.concatenate([bf, bi, bc, bo]).reshape(1, G4)
    lens = dataLens.astype(jnp.int32).reshape(B, 1)

    y, h = pl.pallas_call(
        _lstm_body,
        out_shape=[
            jax.ShapeDtypeStruct((B, OUT), jnp.float32),
            jax.ShapeDtypeStruct((B, HID), jnp.float32),
        ],
        scratch_shapes=[pltpu.VMEM((T * B, G4), jnp.float32)],
    )(lens, x_tm, wx, wh, bias, Wy, by.reshape(1, OUT))
    return (y, h)

# --- scband reference (transcript-rebuilt; emitter-appended) ---
"""Pipeline reference for scband-tomato-model-1425929142386 (READ-ONLY COPY).

The authoritative reference and input builder live on the scoring server;
editing this copy changes nothing except your own understanding.
"""

import jax, jax.numpy as jnp
import numpy as np

B, T, DIN, HID, OUT, IMG = 8, 128, 112, 256, 64, 128
FEAT = DIN + 16
COMB = FEAT + HID


def setup_inputs(seed: int = 0):
    key = jax.random.key(seed)
    ks = jax.random.split(key, 24)
    s = 0.05
    inp = {}
    inp["datas"] = jax.random.normal(ks[0], (B, T, DIN), jnp.float32)
    inp["img"] = jax.random.normal(ks[1], (B, T, 3, IMG, IMG), jnp.float32)
    lens = jax.random.randint(ks[2], (B,), 0, T)
    inp["dataLens"] = jnp.maximum(lens, 1).astype(jnp.int32)
    inp["conv1_w"] = jax.random.normal(ks[3], (16, 3, 11, 11), jnp.float32) * s
    inp["conv1_b"] = jax.random.normal(ks[4], (16,), jnp.float32) * s
    inp["conv2_w"] = jax.random.normal(ks[5], (32, 16, 3, 3), jnp.float32) * s
    inp["conv2_b"] = jax.random.normal(ks[6], (32,), jnp.float32) * s
    inp["lin_w"] = jax.random.normal(ks[7], (32 * 6 * 6, 16), jnp.float32) * s
    inp["lin_b"] = jax.random.normal(ks[8], (16,), jnp.float32) * s
    inp["Wf"] = jax.random.normal(ks[9], (COMB, HID), jnp.float32) * s
    inp["bf"] = jax.random.normal(ks[10], (HID,), jnp.float32) * s
    inp["Wi"] = jax.random.normal(ks[11], (COMB, HID), jnp.float32) * s
    inp["bi"] = jax.random.normal(ks[12], (HID,), jnp.float32) * s
    inp["Wc"] = jax.random.normal(ks[13], (COMB, HID), jnp.float32) * s
    inp["bc"] = jax.random.normal(ks[14], (HID,), jnp.float32) * s
    inp["Wo"] = jax.random.normal(ks[15], (COMB, HID), jnp.float32) * s
    inp["bo"] = jax.random.normal(ks[16], (HID,), jnp.float32) * s
    inp["Wy"] = jax.random.normal(ks[17], (HID, OUT), jnp.float32) * s
    inp["by"] = jax.random.normal(ks[18], (OUT,), jnp.float32) * s
    return inp


def _maxpool3x3s2(x):
    return jax.lax.reduce_window(x, -jnp.inf, jax.lax.max, (1, 1, 3, 3), (1, 1, 2, 2), "VALID")


def _conv(x, w, b, stride, pad):
    y = jax.lax.conv_general_dilated(x, w, (stride, stride), pad, dimension_numbers=("NCHW", "OIHW", "NCHW"))
    return y + b[None, :, None, None]


def _features(img, conv1_w, conv1_b, conv2_w, conv2_b, lin_w, lin_b):
    x = img.reshape(B * T, 3, IMG, IMG)
    x = jax.nn.relu(_conv(x, conv1_w, conv1_b, 4, [(0, 0), (0, 0)]))
    x = _maxpool3x3s2(x)
    x = jax.nn.relu(_conv(x, conv2_w, conv2_b, 1, [(1, 1), (1, 1)]))
    x = _maxpool3x3s2(x)
    x = x.reshape(B * T, 32 * 6 * 6)
    # Dropout is identity in eval mode
    x = jax.nn.relu(x @ lin_w + lin_b)
    return x.reshape(B, T, 16)


def reference(datas, img, dataLens, conv1_w, conv1_b, conv2_w, conv2_b, lin_w, lin_b, Wf, bf, Wi, bi, Wc, bc, Wo, bo, Wy, by):
    feat = _features(img, conv1_w, conv1_b, conv2_w, conv2_b, lin_w, lin_b)
    x = jnp.concatenate([feat, datas], axis=2)
    # pack_padded_sequence(enforce_sorted=False) semantics
    maxlen = x.shape[1]
    hidden = jnp.zeros((B, HID), jnp.float32)
    c = jnp.zeros((B, HID), jnp.float32)

    def step(t, carry):
        hidden, c = carry
        mask = (dataLens > t)[:, None]
        inp_t = x[:, t, :]
        combined = jnp.concatenate([inp_t, hidden], axis=1)
        f_t = jax.nn.sigmoid(combined @ Wf + bf)
        i_t = jax.nn.sigmoid(combined @ Wi + bi)
        c_hat = jnp.tanh(combined @ Wc + bc)
        c_new = f_t * c + i_t * c_hat
        o_t = jax.nn.sigmoid(combined @ Wo + bo)
        c = jnp.where(mask, c_new, c)
        hidden = jnp.where(mask, o_t * jnp.tanh(c_new), hidden)
        return (hidden, c)

    hidden, c = jax.lax.fori_loop(0, maxlen, step, (hidden, c))
    y = hidden @ Wy + by
    return (y, hidden)

if __name__ == "__main__":
    import jax
    _d = setup_inputs()
    print(jax.jit(kernel)(*tuple(_d.values())))

</pallas_src>

<mosaic_0001>
module attributes {stable_mosaic.version = 14 : i64} {
  func.func @_conv1_body(%arg0: i32, %arg1: i32, %arg2: memref<3x128x128x128xbf16, #tpu.memory_space<vmem>>, %arg3: memref<128x1320xbf16, #tpu.memory_space<vmem>>, %arg4: memref<128x1056xbf16, #tpu.memory_space<vmem>>, %arg5: memref<128x1xf32, #tpu.memory_space<vmem>>, %arg6: memref<16x1x1x2x16x128xbf16, #tpu.memory_space<vmem>>) attributes {dimension_semantics = [#tpu.dimension_semantics<arbitrary>, #tpu.dimension_semantics<arbitrary>], iteration_bounds = array<i64: 8, 30>, scalar_prefetch = 0 : i64, scratch_operands = 0 : i64, tpu.core_type = #tpu.core_type<tc>, window_params = [{transform_indices = @transform_0, window_bounds = array<i64: 3, 128, 128, 128>}, {pipeline_mode = #tpu.pipeline_mode<synchronous>, transform_indices = @transform_1, window_bounds = array<i64: 128, 1320>}, {pipeline_mode = #tpu.pipeline_mode<synchronous>, transform_indices = @transform_2, window_bounds = array<i64: 128, 1056>}, {pipeline_mode = #tpu.pipeline_mode<synchronous>, transform_indices = @transform_3, window_bounds = array<i64: 128, 1>}, {transform_indices = @transform_4, window_bounds = array<i64: 16, 1, 1, 2, 16, 128>}]} {
    %mul3A = arith.constant 4 : i32
    %mul3A_0 = arith.muli %mul3A, %arg1 : i32
    %get3A = arith.constant 0 : index
    %get3A_1 = arith.index_cast %mul3A_0 : i32 to index
    %get3A_2 = arith.constant 0 : index
    %get3A_3 = arith.constant 0 : index
    %get3A_4 = vector.load %arg2[%get3A, %get3A_1, %get3A_2, %get3A_3] : memref<3x128x128x128xbf16, #tpu.memory_space<vmem>>, vector<3x11x40x128xbf16>
    %reshape3A = vector.shape_cast %get3A_4 : vector<3x11x40x128xbf16> to vector<1320x128xbf16>
    %get3A_5 = arith.constant 0 : index
    %get3A_6 = arith.constant 0 : index
    %get3A_7 = vector.load %arg3[%get3A_5, %get3A_6] : memref<128x1320xbf16, #tpu.memory_space<vmem>>, vector<128x1320xbf16>
    %dot_general3A = arith.constant dense<0.000000e+00> : vector<128x128xf32>
    %dot_general3A_8 = tpu.matmul %get3A_7, %reshape3A, %dot_general3A {dimension_numbers = #tpu.dot_dimension_numbers<[1], [0], [0], [1], [0, 0, 1, 1], [], []>, transpose_lhs_hint = false} : vector<128x1320xbf16>, vector<1320x128xbf16>, vector<128x128xf32> -> vector<128x128xf32>
    %get3A_9 = arith.constant 0 : index
    %get3A_10 = arith.constant 0 : index
    %get3A_11 = vector.load %arg5[%get3A_9, %get3A_10] : memref<128x1xf32, #tpu.memory_space<vmem>>, vector<128x1xf32>
    %add3A = vector.broadcast %get3A_11 : vector<128x1xf32> to vector<128x128xf32>
    %add3A_12 = arith.addf %dot_general3A_8, %add3A : vector<128x128xf32>
    %max3A = arith.constant 0.000000e+00 : f32
    %max3A_13 = vector.broadcast %max3A : f32 to vector<128x128xf32>
    %max3A_14 = arith.maximumf %add3A_12, %max3A_13 : vector<128x128xf32>
    %convert_element_type3A = arith.truncf %max3A_14 : vector<128x128xf32> to vector<128x128xbf16>
    %reshape3A_15 = vector.shape_cast %convert_element_type3A : vector<128x128xbf16> to vector<16x2x4x128xbf16>
    %mul3A_16 = arith.constant 4 : i32
    %mul3A_17 = arith.muli %mul3A_16, %arg1 : i32
    %get3A_18 = arith.constant 0 : index
    %get3A_19 = arith.index_cast %mul3A_17 : i32 to index
    %get3A_20 = arith.constant 32 : index
    %get3A_21 = arith.constant 0 : index
    %get3A_22 = vector.load %arg2[%get3A_18, %get3A_19, %get3A_20, %get3A_21] : memref<3x128x128x128xbf16, #tpu.memory_space<vmem>>, vector<3x11x40x128xbf16>
    %reshape3A_23 = vector.shape_cast %get3A_22 : vector<3x11x40x128xbf16> to vector<1320x128xbf16>
    %get3A_24 = arith.constant 0 : index
    %get3A_25 = arith.constant 0 : index
    %get3A_26 = vector.load %arg3[%get3A_24, %get3A_25] : memref<128x1320xbf16, #tpu.memory_space<vmem>>, vector<128x1320xbf16>
    %dot_general3A_27 = arith.constant dense<0.000000e+00> : vector<128x128xf32>
    %dot_general3A_28 = tpu.matmul %get3A_26, %reshape3A_23, %dot_general3A_27 {dimension_numbers = #tpu.dot_dimension_numbers<[1], [0], [0], [1], [0, 0, 1, 1], [], []>, transpose_lhs_hint = false} : vector<128x1320xbf16>, vector<1320x128xbf16>, vector<128x128xf32> -> vector<128x128xf32>
    %get3A_29 = arith.constant 0 : index
    %get3A_30 = arith.constant 0 : index
    %get3A_31 = vector.load %arg5[%get3A_29, %get3A_30] : memref<128x1xf32, #tpu.memory_space<vmem>>, vector<128x1xf32>
    %add3A_32 = vector.broadcast %get3A_31 : vector<128x1xf32> to vector<128x128xf32>
    %add3A_33 = arith.addf %dot_general3A_28, %add3A_32 : vector<128x128xf32>
    %max3A_34 = arith.constant 0.000000e+00 : f32
    %max3A_35 = vector.broadcast %max3A_34 : f32 to vector<128x128xf32>
    %max3A_36 = arith.maximumf %add3A_33, %max3A_35 : vector<128x128xf32>
    %convert_element_type3A_37 = arith.truncf %max3A_36 : vector<128x128xf32> to vector<128x128xbf16>
    %reshape3A_38 = vector.shape_cast %convert_element_type3A_37 : vector<128x128xbf16> to vector<16x2x4x128xbf16>
    %mul3A_39 = arith.constant 4 : i32
    %mul3A_40 = arith.muli %mul3A_39, %arg1 : i32
    %get3A_41 = arith.constant 0 : index
    %get3A_42 = arith.index_cast %mul3A_40 : i32 to index
    %get3A_43 = arith.constant 64 : index
    %get3A_44 = arith.constant 0 : index
    %get3A_45 = vector.load %arg2[%get3A_41, %get3A_42, %get3A_43, %get3A_44] : memref<3x128x128x128xbf16, #tpu.memory_space<vmem>>, vector<3x11x40x128xbf16>
    %reshape3A_46 = vector.shape_cast %get3A_45 : vector<3x11x40x128xbf16> to vector<1320x128xbf16>
    %get3A_47 = arith.constant 0 : index
    %get3A_48 = arith.constant 0 : index
    %get3A_49 = vector.load %arg3[%get3A_47, %get3A_48] : memref<128x1320xbf16, #tpu.memory_space<vmem>>, vector<128x1320xbf16>
    %dot_general3A_50 = arith.constant dense<0.000000e+00> : vector<128x128xf32>
    %dot_general3A_51 = tpu.matmul %get3A_49, %reshape3A_46, %dot_general3A_50 {dimension_numbers = #tpu.dot_dimension_numbers<[1], [0], [0], [1], [0, 0, 1, 1], [], []>, transpose_lhs_hint = false} : vector<128x1320xbf16>, vector<1320x128xbf16>, vector<128x128xf32> -> vector<128x128xf32>
    %get3A_52 = arith.constant 0 : index
    %get3A_53 = arith.constant 0 : index
    %get3A_54 = vector.load %arg5[%get3A_52, %get3A_53] : memref<128x1xf32, #tpu.memory_space<vmem>>, vector<128x1xf32>
    %add3A_55 = vector.broadcast %get3A_54 : vector<128x1xf32> to vector<128x128xf32>
    %add3A_56 = arith.addf %dot_general3A_51, %add3A_55 : vector<128x128xf32>
    %max3A_57 = arith.constant 0.000000e+00 : f32
    %max3A_58 = vector.broadcast %max3A_57 : f32 to vector<128x128xf32>
    %max3A_59 = arith.maximumf %add3A_56, %max3A_58 : vector<128x128xf32>
    %convert_element_type3A_60 = arith.truncf %max3A_59 : vector<128x128xf32> to vector<128x128xbf16>
    %reshape3A_61 = vector.shape_cast %convert_element_type3A_60 : vector<128x128xbf16> to vector<16x2x4x128xbf16>
    %mul3A_62 = arith.constant 4 : i32
    %mul3A_63 = arith.muli %mul3A_62, %arg1 : i32
    %get3A_64 = arith.constant 0 : index
    %get3A_65 = arith.index_cast %mul3A_63 : i32 to index
    %get3A_66 = arith.constant 96 : index
    %get3A_67 = arith.constant 0 : index
    %get3A_68 = vector.load %arg2[%get3A_64, %get3A_65, %get3A_66, %get3A_67] : memref<3x128x128x128xbf16, #tpu.memory_space<vmem>>, vector<3x11x32x128xbf16>
    %reshape3A_69 = vector.shape_cast %get3A_68 : vector<3x11x32x128xbf16> to vector<1056x128xbf16>
    %get3A_70 = arith.constant 0 : index
    %get3A_71 = arith.constant 0 : index
    %get3A_72 = vector.load %arg4[%get3A_70, %get3A_71] : memref<128x1056xbf16, #tpu.memory_space<vmem>>, vector<128x1056xbf16>
    %dot_general3A_73 = arith.constant dense<0.000000e+00> : vector<128x128xf32>
    %dot_general3A_74 = tpu.matmul %get3A_72, %reshape3A_69, %dot_general3A_73 {dimension_numbers = #tpu.dot_dimension_numbers<[1], [0], [0], [1], [0, 0, 1, 1], [], []>, transpose_lhs_hint = false} : vector<128x1056xbf16>, vector<1056x128xbf16>, vector<128x128xf32> -> vector<128x128xf32>
    %get3A_75 = arith.constant 0 : index
    %get3A_76 = arith.constant 0 : index
    %get3A_77 = vector.load %arg5[%get3A_75, %get3A_76] : memref<128x1xf32, #tpu.memory_space<vmem>>, vector<128x1xf32>
    %add3A_78 = vector.broadcast %get3A_77 : vector<128x1xf32> to vector<128x128xf32>
    %add3A_79 = arith.addf %dot_general3A_74, %add3A_78 : vector<128x128xf32>
    %max3A_80 = arith.constant 0.000000e+00 : f32
    %max3A_81 = vector.broadcast %max3A_80 : f32 to vector<128x128xf32>
    %max3A_82 = arith.maximumf %add3A_79, %max3A_81 : vector<128x128xf32>
    %convert_element_type3A_83 = arith.truncf %max3A_82 : vector<128x128xf32> to vector<128x128xbf16>
    %reshape3A_84 = vector.shape_cast %convert_element_type3A_83 : vector<128x128xbf16> to vector<16x2x4x128xbf16>
    %concatenate3A = tpu.concatenate %reshape3A_15, %reshape3A_38, %reshape3A_61, %reshape3A_84 in 2 : vector<16x2x4x128xbf16>, vector<16x2x4x128xbf16>, vector<16x2x4x128xbf16>, vector<16x2x4x128xbf16> -> vector<16x2x16x128xbf16>
    %broadcast_in_dim3A = vector.shape_cast %concatenate3A : vector<16x2x16x128xbf16> to vector<16x1x1x2x16x128xbf16>
    %swap3A = arith.constant 0 : index
    %swap3A_85 = arith.constant 0 : index
    %swap3A_86 = arith.constant 0 : index
    %swap3A_87 = arith.constant 0 : index
    %swap3A_88 = arith.constant 0 : index
    %swap3A_89 = arith.constant 0 : index
    %swap3A_90 = vector.load %arg6[%swap3A, %swap3A_85, %swap3A_86, %swap3A_87, %swap3A_88, %swap3A_89] : memref<16x1x1x2x16x128xbf16, #tpu.memory_space<vmem>>, vector<16x1x1x2x16x128xbf16>
    tpu.vector_store %arg6[%swap3A, %swap3A_85, %swap3A_86, %swap3A_87, %swap3A_88, %swap3A_89], %broadcast_in_dim3A {strides = array<i32>} : memref<16x1x1x2x16x128xbf16, #tpu.memory_space<vmem>>, vector<16x1x1x2x16x128xbf16>,
    return
  }
  func.func @transform_0(%arg0: i32, %arg1: i32) -> (i32, i32, i32, i32) {
    %c0_i32 = arith.constant 0 : i32
    %c0_i32_0 = arith.constant 0 : i32
    %c0_i32_1 = arith.constant 0 : i32
    %c0_i32_2 = arith.constant 0 : i32
    return %c0_i32, %c0_i32_0, %c0_i32_1, %arg0 : i32, i32, i32, i32
  }
  func.func @transform_1(%arg0: i32, %arg1: i32) -> (i32, i32) {
    %c0_i32 = arith.constant 0 : i32
    %c0_i32_0 = arith.constant 0 : i32
    %c0_i32_1 = arith.constant 0 : i32
    return %c0_i32, %c0_i32_0 : i32, i32
  }
  func.func @transform_2(%arg0: i32, %arg1: i32) -> (i32, i32) {
    %c0_i32 = arith.constant 0 : i32
    %c0_i32_0 = arith.constant 0 : i32
    %c0_i32_1 = arith.constant 0 : i32
    return %c0_i32, %c0_i32_0 : i32, i32
  }
  func.func @transform_3(%arg0: i32, %arg1: i32) -> (i32, i32) {
    %c0_i32 = arith.constant 0 : i32
    %c0_i32_0 = arith.constant 0 : i32
    %c0_i32_1 = arith.constant 0 : i32
    return %c0_i32, %c0_i32_0 : i32, i32
  }
  func.func @transform_4(%arg0: i32, %arg1: i32) -> (i32, i32, i32, i32, i32, i32) {
    %jit3A = arith.constant 2 : i32
    %eq3A = arith.constant 0 : i32
    %eq3A_0 = arith.cmpi eq, %jit3A, %eq3A : i32
    %jit3A_1 = arith.constant 1 : i32
    %select_n3A = arith.select %eq3A_0, %jit3A_1, %jit3A : i32
    %rem3A = arith.remsi %arg1, %select_n3A : i32
    %ne3A = arith.constant 0 : i32
    %ne3A_2 = arith.cmpi ne, %rem3A, %ne3A : i32
    %lt3A = arith.constant 0 : i32
    %lt3A_3 = arith.cmpi slt, %rem3A, %lt3A : i32
    %lt3A_4 = arith.constant 0 : i32
    %lt3A_5 = arith.cmpi slt, %select_n3A, %lt3A_4 : i32
    %ne3A_6 = arith.xori %lt3A_3, %lt3A_5 : i1
    %and3A = arith.andi %ne3A_6, %ne3A_2 : i1
    %add3A = arith.addi %rem3A, %select_n3A : i32
    %select_n3A_7 = arith.select %and3A, %add3A, %rem3A : i32
    %jit3A_8 = arith.constant 2 : i32
    %div3A = arith.divsi %arg1, %jit3A_8 : i32
    %sign3A = arith.constant 0 : i32
    %sign3A_9 = arith.cmpi sgt, %arg1, %sign3A : i32
    %sign3A_10 = arith.extui %sign3A_9 : i1 to i32
    %sign3A_11 = arith.constant 0 : i32
    %sign3A_12 = arith.cmpi slt, %arg1, %sign3A_11 : i32
    %sign3A_13 = arith.extui %sign3A_12 : i1 to i32
    %sign3A_14 = arith.subi %sign3A_10, %sign3A_13 : i32
    %sign3A_15 = arith.constant 0 : i32
    %sign3A_16 = arith.cmpi sgt, %jit3A_8, %sign3A_15 : i32
    %sign3A_17 = arith.extui %sign3A_16 : i1 to i32
    %sign3A_18 = arith.constant 0 : i32
    %sign3A_19 = arith.cmpi slt, %jit3A_8, %sign3A_18 : i32
    %sign3A_20 = arith.extui %sign3A_19 : i1 to i32
    %sign3A_21 = arith.subi %sign3A_17, %sign3A_20 : i32
    %ne3A_22 = arith.cmpi ne, %sign3A_14, %sign3A_21 : i32
    %rem3A_23 = arith.remsi %arg1, %jit3A_8 : i32
    %ne3A_24 = arith.constant 0 : i32
    %ne3A_25 = arith.cmpi ne, %rem3A_23, %ne3A_24 : i32
    %and3A_26 = arith.andi %ne3A_22, %ne3A_25 : i1
    %sub3A = arith.constant 1 : i32
    %sub3A_27 = arith.subi %div3A, %sub3A : i32
    %select_n3A_28 = arith.select %and3A_26, %sub3A_27, %div3A : i32
    %c0_i32 = arith.constant 0 : i32
    %c0_i32_29 = arith.constant 0 : i32
    %c0_i32_30 = arith.constant 0 : i32
    %c0_i32_31 = arith.constant 0 : i32
    return %c0_i32, %select_n3A_7, %select_n3A_28, %c0_i32_29, %c0_i32_30, %arg0 : i32, i32, i32, i32, i32, i32
  }
}

module attributes {stable_mosaic.version = 14 : i64} {
  func.func @_cnn_tail_body(%arg0: i32, %arg1: memref<16x2x15x2x16x256xbf16, #tpu.memory_space<vmem>>, %arg2: memref<448x768xbf16, #tpu.memory_space<vmem>>, %arg3: memref<448x1xf32, #tpu.memory_space<vmem>>, %arg4: memref<16x1152xbf16, #tpu.memory_space<vmem>>, %arg5: memref<16x1xf32, #tpu.memory_space<vmem>>, %arg6: memref<16x256xf32, #tpu.memory_space<vmem>>, %arg7: memref<16x16x16x256xbf16, #tpu.memory_space<vmem>>, %arg8: memref<32x2x7x2x7x256xbf16, #tpu.memory_space<vmem>>) attributes {dimension_semantics = [#tpu.dimension_semantics<arbitrary>], iteration_bounds = array<i64: 4>, scalar_prefetch = 0 : i64, scratch_operands = 2 : i64, tpu.core_type = #tpu.core_type<tc>, window_params = [{transform_indices = @transform_0, window_bounds = array<i64: 16, 2, 15, 2, 16, 256>}, {pipeline_mode = #tpu.pipeline_mode<synchronous>, transform_indices = @transform_1, window_bounds = array<i64: 448, 768>}, {pipeline_mode = #tpu.pipeline_mode<synchronous>, transform_indices = @transform_2, window_bounds = array<i64: 448, 1>}, {pipeline_mode = #tpu.pipeline_mode<synchronous>, transform_indices = @transform_3, window_bounds = array<i64: 16, 1152>}, {pipeline_mode = #tpu.pipeline_mode<synchronous>, transform_indices = @transform_4, window_bounds = array<i64: 16, 1>}, {transform_indices = @transform_5, window_bounds = array<i64: 16, 256>}]} {
    %get3A = arith.constant 0 : index
    %get3A_0 = arith.constant 0 : index
    %get3A_1 = arith.constant 0 : index
    %get3A_2 = arith.constant 0 : index
    %get3A_3 = arith.constant 0 : index
    %get3A_4 = arith.constant 0 : index
    %get3A_5 = vector.load %arg1[%get3A, %get3A_0, %get3A_1, %get3A_2, %get3A_3, %get3A_4] : memref<16x2x15x2x16x256xbf16, #tpu.memory_space<vmem>>, vector<16x1x15x1x16x256xbf16>
    %get3A_6 = vector.shape_cast %get3A_5 : vector<16x1x15x1x16x256xbf16> to vector<16x15x16x256xbf16>
    %get3A_7 = arith.constant 0 : index
    %get3A_8 = arith.constant 0 : index
    %get3A_9 = arith.constant 0 : index
    %get3A_10 = arith.constant 1 : index
    %get3A_11 = arith.constant 0 : index
    %get3A_12 = arith.constant 0 : index
    %get3A_13 = vector.load %arg1[%get3A_7, %get3A_8, %get3A_9, %get3A_10, %get3A_11, %get3A_12] : memref<16x2x15x2x16x256xbf16, #tpu.memory_space<vmem>>, vector<16x1x15x1x16x256xbf16>
    %get3A_14 = vector.shape_cast %get3A_13 : vector<16x1x15x1x16x256xbf16> to vector<16x15x16x256xbf16>
    %get3A_15 = arith.constant 0 : index
    %get3A_16 = arith.constant 1 : index
    %get3A_17 = arith.constant 0 : index
    %get3A_18 = arith.constant 0 : index
    %get3A_19 = arith.constant 0 : index
    %get3A_20 = arith.constant 0 : index
    %get3A_21 = vector.load %arg1[%get3A_15, %get3A_16, %get3A_17, %get3A_18, %get3A_19, %get3A_20] : memref<16x2x15x2x16x256xbf16, #tpu.memory_space<vmem>>, vector<16x1x15x1x16x256xbf16>
    %get3A_22 = vector.shape_cast %get3A_21 : vector<16x1x15x1x16x256xbf16> to vector<16x15x16x256xbf16>
    %get3A_23 = arith.constant 0 : index
    %get3A_24 = arith.constant 1 : index
    %get3A_25 = arith.constant 0 : index
    %get3A_26 = arith.constant 1 : index
    %get3A_27 = arith.constant 0 : index
    %get3A_28 = arith.constant 0 : index
    %get3A_29 = vector.load %arg1[%get3A_23, %get3A_24, %get3A_25, %get3A_26, %get3A_27, %get3A_28] : memref<16x2x15x2x16x256xbf16, #tpu.memory_space<vmem>>, vector<16x1x15x1x16x256xbf16>
    %get3A_30 = vector.shape_cast %get3A_29 : vector<16x1x15x1x16x256xbf16> to vector<16x15x16x256xbf16>
    %slice3A = vector.extract_strided_slice %get3A_6 {offsets = [0, 0, 0, 0], sizes = [16, 14, 14, 256], strides = [1, 1, 1, 1]} : vector<16x15x16x256xbf16> to vector<16x14x14x256xbf16>
    %slice3A_31 = vector.extract_strided_slice %get3A_6 {offsets = [0, 0, 1, 0], sizes = [16, 14, 14, 256], strides = [1, 1, 1, 1]} : vector<16x15x16x256xbf16> to vector<16x14x14x256xbf16>
    %slice3A_32 = vector.extract_strided_slice %get3A_6 {offsets = [0, 1, 0, 0], sizes = [16, 14, 14, 256], strides = [1, 1, 1, 1]} : vector<16x15x16x256xbf16> to vector<16x14x14x256xbf16>
    %slice3A_33 = vector.extract_strided_slice %get3A_6 {offsets = [0, 1, 1, 0], sizes = [16, 14, 14, 256], strides = [1, 1, 1, 1]} : vector<16x15x16x256xbf16> to vector<16x14x14x256xbf16>
    %slice3A_34 = vector.extract_strided_slice %get3A_14 {offsets = [0, 0, 0, 0], sizes = [16, 14, 14, 256], strides = [1, 1, 1, 1]} : vector<16x15x16x256xbf16> to vector<16x14x14x256xbf16>
    %slice3A_35 = vector.extract_strided_slice %get3A_14 {offsets = [0, 1, 0, 0], sizes = [16, 14, 14, 256], strides = [1, 1, 1, 1]} : vector<16x15x16x256xbf16> to vector<16x14x14x256xbf16>
    %slice3A_36 = vector.extract_strided_slice %get3A_22 {offsets = [0, 0, 0, 0], sizes = [16, 14, 14, 256], strides = [1, 1, 1, 1]} : vector<16x15x16x256xbf16> to vector<16x14x14x256xbf16>
    %slice3A_37 = vector.extract_strided_slice %get3A_22 {offsets = [0, 0, 1, 0], sizes = [16, 14, 14, 256], strides = [1, 1, 1, 1]} : vector<16x15x16x256xbf16> to vector<16x14x14x256xbf16>
    %slice3A_38 = vector.extract_strided_slice %get3A_30 {offsets = [0, 0, 0, 0], sizes = [16, 14, 14, 256], strides = [1, 1, 1, 1]} : vector<16x15x16x256xbf16> to vector<16x14x14x256xbf16>
    %max3A = arith.maximumf %slice3A, %slice3A_31 : vector<16x14x14x256xbf16>
    %max3A_39 = arith.maximumf %max3A, %slice3A_32 : vector<16x14x14x256xbf16>
    %max3A_40 = arith.maximumf %max3A_39, %slice3A_33 : vector<16x14x14x256xbf16>
    %max3A_41 = arith.maximumf %max3A_40, %slice3A_34 : vector<16x14x14x256xbf16>
    %max3A_42 = arith.maximumf %max3A_41, %slice3A_35 : vector<16x14x14x256xbf16>
    %max3A_43 = arith.maximumf %max3A_42, %slice3A_36 : vector<16x14x14x256xbf16>
    %max3A_44 = arith.maximumf %max3A_43, %slice3A_37 : vector<16x14x14x256xbf16>
    %max3A_45 = arith.maximumf %max3A_44, %slice3A_38 : vector<16x14x14x256xbf16>
    %broadcast_in_dim3A = arith.constant 0.000000e+00 : bf16
    %broadcast_in_dim3A_46 = vector.broadcast %broadcast_in_dim3A : bf16 to vector<16x16x16x256xbf16>
    %swap3A = arith.constant 0 : index
    %swap3A_47 = arith.constant 0 : index
    %swap3A_48 = arith.constant 0 : index
    %swap3A_49 = arith.constant 0 : index
    %swap3A_50 = vector.load %arg7[%swap3A, %swap3A_47, %swap3A_48, %swap3A_49] : memref<16x16x16x256xbf16, #tpu.memory_space<vmem>>, vector<16x16x16x256xbf16>
    tpu.vector_store %arg7[%swap3A, %swap3A_47, %swap3A_48, %swap3A_49], %broadcast_in_dim3A_46 {strides = array<i32>} : memref<16x16x16x256xbf16, #tpu.memory_space<vmem>>, vector<16x16x16x256xbf16>,
    %swap3A_51 = arith.constant 0 : index
    %swap3A_52 = arith.constant 1 : index
    %swap3A_53 = arith.constant 1 : index
    %swap3A_54 = arith.constant 0 : index
    %swap3A_55 = vector.load %arg7[%swap3A_51, %swap3A_52, %swap3A_53, %swap3A_54] : memref<16x16x16x256xbf16, #tpu.memory_space<vmem>>, vector<16x14x14x256xbf16>
    tpu.vector_store %arg7[%swap3A_51, %swap3A_52, %swap3A_53, %swap3A_54], %max3A_45 {strides = array<i32>} : memref<16x16x16x256xbf16, #tpu.memory_space<vmem>>, vector<16x14x14x256xbf16>,
    %get3A_56 = arith.constant 0 : index
    %get3A_57 = arith.constant 0 : index
    %get3A_58 = arith.constant 0 : index
    %get3A_59 = arith.constant 0 : index
    %get3A_60 = vector.load %arg7[%get3A_56, %get3A_57, %get3A_58, %get3A_59] : memref<16x16x16x256xbf16, #tpu.memory_space<vmem>>, vector<16x3x16x256xbf16>
    %reshape3A = vector.shape_cast %get3A_60 : vector<16x3x16x256xbf16> to vector<768x256xbf16>
    %get3A_61 = arith.constant 0 : index
    %get3A_62 = arith.constant 0 : index
    %get3A_63 = vector.load %arg2[%get3A_61, %get3A_62] : memref<448x768xbf16, #tpu.memory_space<vmem>>, vector<448x768xbf16>
    %dot_general3A = arith.constant dense<0.000000e+00> : vector<448x256xf32>
    %dot_general3A_64 = tpu.matmul %get3A_63, %reshape3A, %dot_general3A {dimension_numbers = #tpu.dot_dimension_numbers<[1], [0], [0], [1], [0, 0, 1, 1], [], []>, transpose_lhs_hint = false} : vector<448x768xbf16>, vector<768x256xbf16>, vector<448x256xf32> -> vector<448x256xf32>
    %get3A_65 = arith.constant 0 : index
    %get3A_66 = arith.constant 0 : index
    %get3A_67 = vector.load %arg3[%get3A_65, %get3A_66] : memref<448x1xf32, #tpu.memory_space<vmem>>, vector<448x1xf32>
    %add3A = vector.broadcast %get3A_67 : vector<448x1xf32> to vector<448x256xf32>
    %add3A_68 = arith.addf %dot_general3A_64, %add3A : vector<448x256xf32>
    %max3A_69 = arith.constant 0.000000e+00 : f32
    %max3A_70 = vector.broadcast %max3A_69 : f32 to vector<448x256xf32>
    %max3A_71 = arith.maximumf %add3A_68, %max3A_70 : vector<448x256xf32>
    %convert_element_type3A = arith.truncf %max3A_71 : vector<448x256xf32> to vector<448x256xbf16>
    %reshape3A_72 = vector.shape_cast %convert_element_type3A : vector<448x256xbf16> to vector<32x2x7x256xbf16>
    %swap3A_73 = arith.constant 0 : index
    %swap3A_74 = arith.constant 0 : index
    %swap3A_75 = arith.constant 0 : index
    %swap3A_76 = arith.constant 0 : index
    %swap3A_77 = arith.constant 0 : index
    %swap3A_78 = arith.constant 0 : index
    %swap3A_79 = vector.load %arg8[%swap3A_73, %swap3A_74, %swap3A_75, %swap3A_76, %swap3A_77, %swap3A_78] : memref<32x2x7x2x7x256xbf16, #tpu.memory_space<vmem>>, vector<32x1x1x2x7x256xbf16>
    %swap3A_80 = vector.shape_cast %swap3A_79 : vector<32x1x1x2x7x256xbf16> to vector<32x2x7x256xbf16>
    %swap3A_81 = vector.shape_cast %reshape3A_72 : vector<32x2x7x256xbf16> to vector<32x1x1x2x7x256xbf16>
    tpu.vector_store %arg8[%swap3A_73, %swap3A_74, %swap3A_75, %swap3A_76, %swap3A_77, %swap3A_78], %swap3A_81 {strides = array<i32>} : memref<32x2x7x2x7x256xbf16, #tpu.memory_space<vmem>>, vector<32x1x1x2x7x256xbf16>,
    %get3A_82 = arith.constant 0 : index
    %get3A_83 = arith.constant 1 : index
    %get3A_84 = arith.constant 0 : index
    %get3A_85 = arith.constant 0 : index
    %get3A_86 = vector.load %arg7[%get3A_82, %get3A_83, %get3A_84, %get3A_85] : memref<16x16x16x256xbf16, #tpu.memory_space<vmem>>, vector<16x3x16x256xbf16>
    %reshape3A_87 = vector.shape_cast %get3A_86 : vector<16x3x16x256xbf16> to vector<768x256xbf16>
    %get3A_88 = arith.constant 0 : index
    %get3A_89 = arith.constant 0 : index
    %get3A_90 = vector.load %arg2[%get3A_88, %get3A_89] : memref<448x768xbf16, #tpu.memory_space<vmem>>, vector<448x768xbf16>
    %dot_general3A_91 = arith.constant dense<0.000000e+00> : vector<448x256xf32>
    %dot_general3A_92 = tpu.matmul %get3A_90, %reshape3A_87, %dot_general3A_91 {dimension_numbers = #tpu.dot_dimension_numbers<[1], [0], [0], [1], [0, 0, 1, 1], [], []>, transpose_lhs_hint = false} : vector<448x768xbf16>, vector<768x256xbf16>, vector<448x256xf32> -> vector<448x256xf32>
    %get3A_93 = arith.constant 0 : index
    %get3A_94 = arith.constant 0 : index
    %get3A_95 = vector.load %arg3[%get3A_93, %get3A_94] : memref<448x1xf32, #tpu.memory_space<vmem>>, vector<448x1xf32>
    %add3A_96 = vector.broadcast %get3A_95 : vector<448x1xf32> to vector<448x256xf32>
    %add3A_97 = arith.addf %dot_general3A_92, %add3A_96 : vector<448x256xf32>
    %max3A_98 = arith.constant 0.000000e+00 : f32
    %max3A_99 = vector.broadcast %max3A_98 : f32 to vector<448x256xf32>
    %max3A_100 = arith.maximumf %add3A_97, %max3A_99 : vector<448x256xf32>
    %convert_element_type3A_101 = arith.truncf %max3A_100 : vector<448x256xf32> to vector<448x256xbf16>
    %reshape3A_102 = vector.shape_cast %convert_element_type3A_101 : vector<448x256xbf16> to vector<32x2x7x256xbf16>
    %swap3A_103 = arith.constant 0 : index
    %swap3A_104 = arith.constant 1 : index
    %swap3A_105 = arith.constant 0 : index
    %swap3A_106 = arith.constant 0 : index
    %swap3A_107 = arith.constant 0 : index
    %swap3A_108 = arith.constant 0 : index
    %swap3A_109 = vector.load %arg8[%swap3A_103, %swap3A_104, %swap3A_105, %swap3A_106, %swap3A_107, %swap3A_108] : memref<32x2x7x2x7x256xbf16, #tpu.memory_space<vmem>>, vector<32x1x1x2x7x256xbf16>
    %swap3A_110 = vector.shape_cast %swap3A_109 : vector<32x1x1x2x7x256xbf16> to vector<32x2x7x256xbf16>
    %swap3A_111 = vector.shape_cast %reshape3A_102 : vector<32x2x7x256xbf16> to vector<32x1x1x2x7x256xbf16>
    tpu.vector_store %arg8[%swap3A_103, %swap3A_104, %swap3A_105, %swap3A_106, %swap3A_107, %swap3A_108], %swap3A_111 {strides = array<i32>} : memref<32x2x7x2x7x256xbf16, #tpu.memory_space<vmem>>, vector<32x1x1x2x7x256xbf16>,
    %get3A_112 = arith.constant 0 : index
    %get3A_113 = arith.constant 2 : index
    %get3A_114 = arith.constant 0 : index
    %get3A_115 = arith.constant 0 : index
    %get3A_116 = vector.load %arg7[%get3A_112, %get3A_113, %get3A_114, %get3A_115] : memref<16x16x16x256xbf16, #tpu.memory_space<vmem>>, vector<16x3x16x256xbf16>
    %reshape3A_117 = vector.shape_cast %get3A_116 : vector<16x3x16x256xbf16> to vector<768x256xbf16>
    %get3A_118 = arith.constant 0 : index
    %get3A_119 = arith.constant 0 : index
    %get3A_120 = vector.load %arg2[%get3A_118, %get3A_119] : memref<448x768xbf16, #tpu.memory_space<vmem>>, vector<448x768xbf16>
    %dot_general3A_121 = arith.constant dense<0.000000e+00> : vector<448x256xf32>
    %dot_general3A_122 = tpu.matmul %get3A_120, %reshape3A_117, %dot_general3A_121 {dimension_numbers = #tpu.dot_dimension_numbers<[1], [0], [0], [1], [0, 0, 1, 1], [], []>, transpose_lhs_hint = false} : vector<448x768xbf16>, vector<768x256xbf16>, vector<448x256xf32> -> vector<448x256xf32>
    %get3A_123 = arith.constant 0 : index
    %get3A_124 = arith.constant 0 : index
    %get3A_125 = vector.load %arg3[%get3A_123, %get3A_124] : memref<448x1xf32, #tpu.memory_space<vmem>>, vector<448x1xf32>
    %add3A_126 = vector.broadcast %get3A_125 : vector<448x1xf32> to vector<448x256xf32>
    %add3A_127 = arith.addf %dot_general3A_122, %add3A_126 : vector<448x256xf32>
    %max3A_128 = arith.constant 0.000000e+00 : f32
    %max3A_129 = vector.broadcast %max3A_128 : f32 to vector<448x256xf32>
    %max3A_130 = arith.maximumf %add3A_127, %max3A_129 : vector<448x256xf32>
    %convert_element_type3A_131 = arith.truncf %max3A_130 : vector<448x256xf32> to vector<448x256xbf16>
    %reshape3A_132 = vector.shape_cast %convert_element_type3A_131 : vector<448x256xbf16> to vector<32x2x7x256xbf16>
    %swap3A_133 = arith.constant 0 : index
    %swap3A_134 = arith.constant 0 : index
    %swap3A_135 = arith.constant 1 : index
    %swap3A_136 = arith.constant 0 : index
    %swap3A_137 = arith.constant 0 : index
    %swap3A_138 = arith.constant 0 : index
    %swap3A_139 = vector.load %arg8[%swap3A_133, %swap3A_134, %swap3A_135, %swap3A_136, %swap3A_137, %swap3A_138] : memref<32x2x7x2x7x256xbf16, #tpu.memory_space<vmem>>, vector<32x1x1x2x7x256xbf16>
    %swap3A_140 = vector.shape_cast %swap3A_139 : vector<32x1x1x2x7x256xbf16> to vector<32x2x7x256xbf16>
    %swap3A_141 = vector.shape_cast %reshape3A_132 : vector<32x2x7x256xbf16> to vector<32x1x1x2x7x256xbf16>
    tpu.vector_store %arg8[%swap3A_133, %swap3A_134, %swap3A_135, %swap3A_136, %swap3A_137, %swap3A_138], %swap3A_141 {strides = array<i32>} : memref<32x2x7x2x7x256xbf16, #tpu.memory_space<vmem>>, vector<32x1x1x2x7x256xbf16>,
    %get3A_142 = arith.constant 0 : index
    %get3A_143 = arith.constant 3 : index
    %get3A_144 = arith.constant 0 : index
    %get3A_145 = arith.constant 0 : index
    %get3A_146 = vector.load %arg7[%get3A_142, %get3A_143, %get3A_144, %get3A_145] : memref<16x16x16x256xbf16, #tpu.memory_space<vmem>>, vector<16x3x16x256xbf16>
    %reshape3A_147 = vector.shape_cast %get3A_146 : vector<16x3x16x256xbf16> to vector<768x256xbf16>
    %get3A_148 = arith.constant 0 : index
    %get3A_149 = arith.constant 0 : index
    %get3A_150 = vector.load %arg2[%get3A_148, %get3A_149] : memref<448x768xbf16, #tpu.memory_space<vmem>>, vector<448x768xbf16>
    %dot_general3A_151 = arith.constant dense<0.000000e+00> : vector<448x256xf32>
    %dot_general3A_152 = tpu.matmul %get3A_150, %reshape3A_147, %dot_general3A_151 {dimension_numbers = #tpu.dot_dimension_numbers<[1], [0], [0], [1], [0, 0, 1, 1], [], []>, transpose_lhs_hint = false} : vector<448x768xbf16>, vector<768x256xbf16>, vector<448x256xf32> -> vector<448x256xf32>
    %get3A_153 = arith.constant 0 : index
    %get3A_154 = arith.constant 0 : index
    %get3A_155 = vector.load %arg3[%get3A_153, %get3A_154] : memref<448x1xf32, #tpu.memory_space<vmem>>, vector<448x1xf32>
    %add3A_156 = vector.broadcast %get3A_155 : vector<448x1xf32> to vector<448x256xf32>
    %add3A_157 = arith.addf %dot_general3A_152, %add3A_156 : vector<448x256xf32>
    %max3A_158 = arith.constant 0.000000e+00 : f32
    %max3A_159 = vector.broadcast %max3A_158 : f32 to vector<448x256xf32>
    %max3A_160 = arith.maximumf %add3A_157, %max3A_159 : vector<448x256xf32>
    %convert_element_type3A_161 = arith.truncf %max3A_160 : vector<448x256xf32> to vector<448x256xbf16>
    %reshape3A_162 = vector.shape_cast %convert_element_type3A_161 : vector<448x256xbf16> to vector<32x2x7x256xbf16>
    %swap3A_163 = arith.constant 0 : index
    %swap3A_164 = arith.constant 1 : index
    %swap3A_165 = arith.constant 1 : index
    %swap3A_166 = arith.constant 0 : index
    %swap3A_167 = arith.constant 0 : index
    %swap3A_168 = arith.constant 0 : index
    %swap3A_169 = vector.load %arg8[%swap3A_163, %swap3A_164, %swap3A_165, %swap3A_166, %swap3A_167, %swap3A_168] : memref<32x2x7x2x7x256xbf16, #tpu.memory_space<vmem>>, vector<32x1x1x2x7x256xbf16>
    %swap3A_170 = vector.shape_cast %swap3A_169 : vector<32x1x1x2x7x256xbf16> to vector<32x2x7x256xbf16>
    %swap3A_171 = vector.shape_cast %reshape3A_162 : vector<32x2x7x256xbf16> to vector<32x1x1x2x7x256xbf16>
    tpu.vector_store %arg8[%swap3A_163, %swap3A_164, %swap3A_165, %swap3A_166, %swap3A_167, %swap3A_168], %swap3A_171 {strides = array<i32>} : memref<32x2x7x2x7x256xbf16, #tpu.memory_space<vmem>>, vector<32x1x1x2x7x256xbf16>,
    %get3A_172 = arith.constant 0 : index
    %get3A_173 = arith.constant 4 : index
    %get3A_174 = arith.constant 0 : index
    %get3A_175 = arith.constant 0 : index
    %get3A_176 = vector.load %arg7[%get3A_172, %get3A_173, %get3A_174, %get3A_175] : memref<16x16x16x256xbf16, #tpu.memory_space<vmem>>, vector<16x3x16x256xbf16>
    %reshape3A_177 = vector.shape_cast %get3A_176 : vector<16x3x16x256xbf16> to vector<768x256xbf16>
    %get3A_178 = arith.constant 0 : index
    %get3A_179 = arith.constant 0 : index
    %get3A_180 = vector.load %arg2[%get3A_178, %get3A_179] : memref<448x768xbf16, #tpu.memory_space<vmem>>, vector<448x768xbf16>
    %dot_general3A_181 = arith.constant dense<0.000000e+00> : vector<448x256xf32>
    %dot_general3A_182 = tpu.matmul %get3A_180, %reshape3A_177, %dot_general3A_181 {dimension_numbers = #tpu.dot_dimension_numbers<[1], [0], [0], [1], [0, 0, 1, 1], [], []>, transpose_lhs_hint = false} : vector<448x768xbf16>, vector<768x256xbf16>, vector<448x256xf32> -> vector<448x256xf32>
    %get3A_183 = arith.constant 0 : index
    %get3A_184 = arith.constant 0 : index
    %get3A_185 = vector.load %arg3[%get3A_183, %get3A_184] : memref<448x1xf32, #tpu.memory_space<vmem>>, vector<448x1xf32>
    %add3A_186 = vector.broadcast %get3A_185 : vector<448x1xf32> to vector<448x256xf32>
    %add3A_187 = arith.addf %dot_general3A_182, %add3A_186 : vector<448x256xf32>
    %max3A_188 = arith.constant 0.000000e+00 : f32
    %max3A_189 = vector.broadcast %max3A_188 : f32 to vector<448x256xf32>
    %max3A_190 = arith.maximumf %add3A_187, %max3A_189 : vector<448x256xf32>
    %convert_element_type3A_191 = arith.truncf %max3A_190 : vector<448x256xf32> to vector<448x256xbf16>
    %reshape3A_192 = vector.shape_cast %convert_element_type3A_191 : vector<448x256xbf16> to vector<32x2x7x256xbf16>
    %swap3A_193 = arith.constant 0 : index
    %swap3A_194 = arith.constant 0 : index
    %swap3A_195 = arith.constant 2 : index
    %swap3A_196 = arith.constant 0 : index
    %swap3A_197 = arith.constant 0 : index
    %swap3A_198 = arith.constant 0 : index
    %swap3A_199 = vector.load %arg8[%swap3A_193, %swap3A_194, %swap3A_195, %swap3A_196, %swap3A_197, %swap3A_198] : memref<32x2x7x2x7x256xbf16, #tpu.memory_space<vmem>>, vector<32x1x1x2x7x256xbf16>
    %swap3A_200 = vector.shape_cast %swap3A_199 : vector<32x1x1x2x7x256xbf16> to vector<32x2x7x256xbf16>
    %swap3A_201 = vector.shape_cast %reshape3A_192 : vector<32x2x7x256xbf16> to vector<32x1x1x2x7x256xbf16>
    tpu.vector_store %arg8[%swap3A_193, %swap3A_194, %swap3A_195, %swap3A_196, %swap3A_197, %swap3A_198], %swap3A_201 {strides = array<i32>} : memref<32x2x7x2x7x256xbf16, #tpu.memory_space<vmem>>, vector<32x1x1x2x7x256xbf16>,
    %get3A_202 = arith.constant 0 : index
    %get3A_203 = arith.constant 5 : index
    %get3A_204 = arith.constant 0 : index
    %get3A_205 = arith.constant 0 : index
    %get3A_206 = vector.load %arg7[%get3A_202, %get3A_203, %get3A_204, %get3A_205] : memref<16x16x16x256xbf16, #tpu.memory_space<vmem>>, vector<16x3x16x256xbf16>
    %reshape3A_207 = vector.shape_cast %get3A_206 : vector<16x3x16x256xbf16> to vector<768x256xbf16>
    %get3A_208 = arith.constant 0 : index
    %get3A_209 = arith.constant 0 : index
    %get3A_210 = vector.load %arg2[%get3A_208, %get3A_209] : memref<448x768xbf16, #tpu.memory_space<vmem>>, vector<448x768xbf16>
    %dot_general3A_211 = arith.constant dense<0.000000e+00> : vector<448x256xf32>
    %dot_general3A_212 = tpu.matmul %get3A_210, %reshape3A_207, %dot_general3A_211 {dimension_numbers = #tpu.dot_dimension_numbers<[1], [0], [0], [1], [0, 0, 1, 1], [], []>, transpose_lhs_hint = false} : vector<448x768xbf16>, vector<768x256xbf16>, vector<448x256xf32> -> vector<448x256xf32>
    %get3A_213 = arith.constant 0 : index
    %get3A_214 = arith.constant 0 : index
    %get3A_215 = vector.load %arg3[%get3A_213, %get3A_214] : memref<448x1xf32, #tpu.memory_space<vmem>>, vector<448x1xf32>
    %add3A_216 = vector.broadcast %get3A_215 : vector<448x1xf32> to vector<448x256xf32>
    %add3A_217 = arith.addf %dot_general3A_212, %add3A_216 : vector<448x256xf32>
    %max3A_218 = arith.constant 0.000000e+00 : f32
    %max3A_219 = vector.broadcast %max3A_218 : f32 to vector<448x256xf32>
    %max3A_220 = arith.maximumf %add3A_217, %max3A_219 : vector<448x256xf32>
    %convert_element_type3A_221 = arith.truncf %max3A_220 : vector<448x256xf32> to vector<448x256xbf16>
    %reshape3A_222 = vector.shape_cast %convert_element_type3A_221 : vector<448x256xbf16> to vector<32x2x7x256xbf16>
    %swap3A_223 = arith.constant 0 : index
    %swap3A_224 = arith.constant 1 : index
    %swap3A_225 = arith.constant 2 : index
    %swap3A_226 = arith.constant 0 : index
    %swap3A_227 = arith.constant 0 : index
    %swap3A_228 = arith.constant 0 : index
    %swap3A_229 = vector.load %arg8[%swap3A_223, %swap3A_224, %swap3A_225, %swap3A_226, %swap3A_227, %swap3A_228] : memref<32x2x7x2x7x256xbf16, #tpu.memory_space<vmem>>, vector<32x1x1x2x7x256xbf16>
    %swap3A_230 = vector.shape_cast %swap3A_229 : vector<32x1x1x2x7x256xbf16> to vector<32x2x7x256xbf16>
    %swap3A_231 = vector.shape_cast %reshape3A_222 : vector<32x2x7x256xbf16> to vector<32x1x1x2x7x256xbf16>
    tpu.vector_store %arg8[%swap3A_223, %swap3A_224, %swap3A_225, %swap3A_226, %swap3A_227, %swap3A_228], %swap3A_231 {strides = array<i32>} : memref<32x2x7x2x7x256xbf16, #tpu.memory_space<vmem>>, vector<32x1x1x2x7x256xbf16>,
    %get3A_232 = arith.constant 0 : index
    %get3A_233 = arith.constant 6 : index
    %get3A_234 = arith.constant 0 : index
    %get3A_235 = arith.constant 0 : index
    %get3A_236 = vector.load %arg7[%get3A_232, %get3A_233, %get3A_234, %get3A_235] : memref<16x16x16x256xbf16, #tpu.memory_space<vmem>>, vector<16x3x16x256xbf16>
    %reshape3A_237 = vector.shape_cast %get3A_236 : vector<16x3x16x256xbf16> to vector<768x256xbf16>
    %get3A_238 = arith.constant 0 : index
    %get3A_239 = arith.constant 0 : index
    %get3A_240 = vector.load %arg2[%get3A_238, %get3A_239] : memref<448x768xbf16, #tpu.memory_space<vmem>>, vector<448x768xbf16>
    %dot_general3A_241 = arith.constant dense<0.000000e+00> : vector<448x256xf32>
    %dot_general3A_242 = tpu.matmul %get3A_240, %reshape3A_237, %dot_general3A_241 {dimension_numbers = #tpu.dot_dimension_numbers<[1], [0], [0], [1], [0, 0, 1, 1], [], []>, transpose_lhs_hint = false} : vector<448x768xbf16>, vector<768x256xbf16>, vector<448x256xf32> -> vector<448x256xf32>
    %get3A_243 = arith.constant 0 : index
    %get3A_244 = arith.constant 0 : index
    %get3A_245 = vector.load %arg3[%get3A_243, %get3A_244] : memref<448x1xf32, #tpu.memory_space<vmem>>, vector<448x1xf32>
    %add3A_246 = vector.broadcast %get3A_245 : vector<448x1xf32> to vector<448x256xf32>
    %add3A_247 = arith.addf %dot_general3A_242, %add3A_246 : vector<448x256xf32>
    %max3A_248 = arith.constant 0.000000e+00 : f32
    %max3A_249 = vector.broadcast %max3A_248 : f32 to vector<448x256xf32>
    %max3A_250 = arith.maximumf %add3A_247, %max3A_249 : vector<448x256xf32>
    %convert_element_type3A_251 = arith.truncf %max3A_250 : vector<448x256xf32> to vector<448x256xbf16>
    %reshape3A_252 = vector.shape_cast %convert_element_type3A_251 : vector<448x256xbf16> to vector<32x2x7x256xbf16>
    %swap3A_253 = arith.constant 0 : index
    %swap3A_254 = arith.constant 0 : index
    %swap3A_255 = arith.constant 3 : index
    %swap3A_256 = arith.constant 0 : index
    %swap3A_257 = arith.constant 0 : index
    %swap3A_258 = arith.constant 0 : index
    %swap3A_259 = vector.load %arg8[%swap3A_253, %swap3A_254, %swap3A_255, %swap3A_256, %swap3A_257, %swap3A_258] : memref<32x2x7x2x7x256xbf16, #tpu.memory_space<vmem>>, vector<32x1x1x2x7x256xbf16>
    %swap3A_260 = vector.shape_cast %swap3A_259 : vector<32x1x1x2x7x256xbf16> to vector<32x2x7x256xbf16>
    %swap3A_261 = vector.shape_cast %reshape3A_252 : vector<32x2x7x256xbf16> to vector<32x1x1x2x7x256xbf16>
    tpu.vector_store %arg8[%swap3A_253, %swap3A_254, %swap3A_255, %swap3A_256, %swap3A_257, %swap3A_258], %swap3A_261 {strides = array<i32>} : memref<32x2x7x2x7x256xbf16, #tpu.memory_space<vmem>>, vector<32x1x1x2x7x256xbf16>,
    %get3A_262 = arith.constant 0 : index
    %get3A_263 = arith.constant 7 : index
    %get3A_264 = arith.constant 0 : index
    %get3A_265 = arith.constant 0 : index
    %get3A_266 = vector.load %arg7[%get3A_262, %get3A_263, %get3A_264, %get3A_265] : memref<16x16x16x256xbf16, #tpu.memory_space<vmem>>, vector<16x3x16x256xbf16>
    %reshape3A_267 = vector.shape_cast %get3A_266 : vector<16x3x16x256xbf16> to vector<768x256xbf16>
    %get3A_268 = arith.constant 0 : index
    %get3A_269 = arith.constant 0 : index
    %get3A_270 = vector.load %arg2[%get3A_268, %get3A_269] : memref<448x768xbf16, #tpu.memory_space<vmem>>, vector<448x768xbf16>
    %dot_general3A_271 = arith.constant dense<0.000000e+00> : vector<448x256xf32>
    %dot_general3A_272 = tpu.matmul %get3A_270, %reshape3A_267, %dot_general3A_271 {dimension_numbers = #tpu.dot_dimension_numbers<[1], [0], [0], [1], [0, 0, 1, 1], [], []>, transpose_lhs_hint = false} : vector<448x768xbf16>, vector<768x256xbf16>, vector<448x256xf32> -> vector<448x256xf32>
    %get3A_273 = arith.constant 0 : index
    %get3A_274 = arith.constant 0 : index
    %get3A_275 = vector.load %arg3[%get3A_273, %get3A_274] : memref<448x1xf32, #tpu.memory_space<vmem>>, vector<448x1xf32>
    %add3A_276 = vector.broadcast %get3A_275 : vector<448x1xf32> to vector<448x256xf32>
    %add3A_277 = arith.addf %dot_general3A_272, %add3A_276 : vector<448x256xf32>
    %max3A_278 = arith.constant 0.000000e+00 : f32
    %max3A_279 = vector.broadcast %max3A_278 : f32 to vector<448x256xf32>
    %max3A_280 = arith.maximumf %add3A_277, %max3A_279 : vector<448x256xf32>
    %convert_element_type3A_281 = arith.truncf %max3A_280 : vector<448x256xf32> to vector<448x256xbf16>
    %reshape3A_282 = vector.shape_cast %convert_element_type3A_281 : vector<448x256xbf16> to vector<32x2x7x256xbf16>
    %swap3A_283 = arith.constant 0 : index
    %swap3A_284 = arith.constant 1 : index
    %swap3A_285 = arith.constant 3 : index
    %swap3A_286 = arith.constant 0 : index
    %swap3A_287 = arith.constant 0 : index
    %swap3A_288 = arith.constant 0 : index
    %swap3A_289 = vector.load %arg8[%swap3A_283, %swap3A_284, %swap3A_285, %swap3A_286, %swap3A_287, %swap3A_288] : memref<32x2x7x2x7x256xbf16, #tpu.memory_space<vmem>>, vector<32x1x1x2x7x256xbf16>
    %swap3A_290 = vector.shape_cast %swap3A_289 : vector<32x1x1x2x7x256xbf16> to vector<32x2x7x256xbf16>
    %swap3A_291 = vector.shape_cast %reshape3A_282 : vector<32x2x7x256xbf16> to vector<32x1x1x2x7x256xbf16>
    tpu.vector_store %arg8[%swap3A_283, %swap3A_284, %swap3A_285, %swap3A_286, %swap3A_287, %swap3A_288], %swap3A_291 {strides = array<i32>} : memref<32x2x7x2x7x256xbf16, #tpu.memory_space<vmem>>, vector<32x1x1x2x7x256xbf16>,
    %get3A_292 = arith.constant 0 : index
    %get3A_293 = arith.constant 8 : index
    %get3A_294 = arith.constant 0 : index
    %get3A_295 = arith.constant 0 : index
    %get3A_296 = vector.load %arg7[%get3A_292, %get3A_293, %get3A_294, %get3A_295] : memref<16x16x16x256xbf16, #tpu.memory_space<vmem>>, vector<16x3x16x256xbf16>
    %reshape3A_297 = vector.shape_cast %get3A_296 : vector<16x3x16x256xbf16> to vector<768x256xbf16>
    %get3A_298 = arith.constant 0 : index
    %get3A_299 = arith.constant 0 : index
    %get3A_300 = vector.load %arg2[%get3A_298, %get3A_299] : memref<448x768xbf16, #tpu.memory_space<vmem>>, vector<448x768xbf16>
    %dot_general3A_301 = arith.constant dense<0.000000e+00> : vector<448x256xf32>
    %dot_general3A_302 = tpu.matmul %get3A_300, %reshape3A_297, %dot_general3A_301 {dimension_numbers = #tpu.dot_dimension_numbers<[1], [0], [0], [1], [0, 0, 1, 1], [], []>, transpose_lhs_hint = false} : vector<448x768xbf16>, vector<768x256xbf16>, vector<448x256xf32> -> vector<448x256xf32>
    %get3A_303 = arith.constant 0 : index
    %get3A_304 = arith.constant 0 : index
    %get3A_305 = vector.load %arg3[%get3A_303, %get3A_304] : memref<448x1xf32, #tpu.memory_space<vmem>>, vector<448x1xf32>
    %add3A_306 = vector.broadcast %get3A_305 : vector<448x1xf32> to vector<448x256xf32>
    %add3A_307 = arith.addf %dot_general3A_302, %add3A_306 : vector<448x256xf32>
    %max3A_308 = arith.constant 0.000000e+00 : f32
    %max3A_309 = vector.broadcast %max3A_308 : f32 to vector<448x256xf32>
    %max3A_310 = arith.maximumf %add3A_307, %max3A_309 : vector<448x256xf32>
    %convert_element_type3A_311 = arith.truncf %max3A_310 : vector<448x256xf32> to vector<448x256xbf16>
    %reshape3A_312 = vector.shape_cast %convert_element_type3A_311 : vector<448x256xbf16> to vector<32x2x7x256xbf16>
    %swap3A_313 = arith.constant 0 : index
    %swap3A_314 = arith.constant 0 : index
    %swap3A_315 = arith.constant 4 : index
    %swap3A_316 = arith.constant 0 : index
    %swap3A_317 = arith.constant 0 : index
    %swap3A_318 = arith.constant 0 : index
    %swap3A_319 = vector.load %arg8[%swap3A_313, %swap3A_314, %swap3A_315, %swap3A_316, %swap3A_317, %swap3A_318] : memref<32x2x7x2x7x256xbf16, #tpu.memory_space<vmem>>, vector<32x1x1x2x7x256xbf16>
    %swap3A_320 = vector.shape_cast %swap3A_319 : vector<32x1x1x2x7x256xbf16> to vector<32x2x7x256xbf16>
    %swap3A_321 = vector.shape_cast %reshape3A_312 : vector<32x2x7x256xbf16> to vector<32x1x1x2x7x256xbf16>
    tpu.vector_store %arg8[%swap3A_313, %swap3A_314, %swap3A_315, %swap3A_316, %swap3A_317, %swap3A_318], %swap3A_321 {strides = array<i32>} : memref<32x2x7x2x7x256xbf16, #tpu.memory_space<vmem>>, vector<32x1x1x2x7x256xbf16>,
    %get3A_322 = arith.constant 0 : index
    %get3A_323 = arith.constant 9 : index
    %get3A_324 = arith.constant 0 : index
    %get3A_325 = arith.constant 0 : index
    %get3A_326 = vector.load %arg7[%get3A_322, %get3A_323, %get3A_324, %get3A_325] : memref<16x16x16x256xbf16, #tpu.memory_space<vmem>>, vector<16x3x16x256xbf16>
    %reshape3A_327 = vector.shape_cast %get3A_326 : vector<16x3x16x256xbf16> to vector<768x256xbf16>
    %get3A_328 = arith.constant 0 : index
    %get3A_329 = arith.constant 0 : index
    %get3A_330 = vector.load %arg2[%get3A_328, %get3A_329] : memref<448x768xbf16, #tpu.memory_space<vmem>>, vector<448x768xbf16>
    %dot_general3A_331 = arith.constant dense<0.000000e+00> : vector<448x256xf32>
    %dot_general3A_332 = tpu.matmul %get3A_330, %reshape3A_327, %dot_general3A_331 {dimension_numbers = #tpu.dot_dimension_numbers<[1], [0], [0], [1], [0, 0, 1, 1], [], []>, transpose_lhs_hint = false} : vector<448x768xbf16>, vector<768x256xbf16>, vector<448x256xf32> -> vector<448x256xf32>
    %get3A_333 = arith.constant 0 : index
    %get3A_334 = arith.constant 0 : index
    %get3A_335 = vector.load %arg3[%get3A_333, %get3A_334] : memref<448x1xf32, #tpu.memory_space<vmem>>, vector<448x1xf32>
    %add3A_336 = vector.broadcast %get3A_335 : vector<448x1xf32> to vector<448x256xf32>
    %add3A_337 = arith.addf %dot_general3A_332, %add3A_336 : vector<448x256xf32>
    %max3A_338 = arith.constant 0.000000e+00 : f32
    %max3A_339 = vector.broadcast %max3A_338 : f32 to vector<448x256xf32>
    %max3A_340 = arith.maximumf %add3A_337, %max3A_339 : vector<448x256xf32>
    %convert_element_type3A_341 = arith.truncf %max3A_340 : vector<448x256xf32> to vector<448x256xbf16>
    %reshape3A_342 = vector.shape_cast %convert_element_type3A_341 : vector<448x256xbf16> to vector<32x2x7x256xbf16>
    %swap3A_343 = arith.constant 0 : index
    %swap3A_344 = arith.constant 1 : index
    %swap3A_345 = arith.constant 4 : index
    %swap3A_346 = arith.constant 0 : index
    %swap3A_347 = arith.constant 0 : index
    %swap3A_348 = arith.constant 0 : index
    %swap3A_349 = vector.load %arg8[%swap3A_343, %swap3A_344, %swap3A_345, %swap3A_346, %swap3A_347, %swap3A_348] : memref<32x2x7x2x7x256xbf16, #tpu.memory_space<vmem>>, vector<32x1x1x2x7x256xbf16>
    %swap3A_350 = vector.shape_cast %swap3A_349 : vector<32x1x1x2x7x256xbf16> to vector<32x2x7x256xbf16>
    %swap3A_351 = vector.shape_cast %reshape3A_342 : vector<32x2x7x256xbf16> to vector<32x1x1x2x7x256xbf16>
    tpu.vector_store %arg8[%swap3A_343, %swap3A_344, %swap3A_345, %swap3A_346, %swap3A_347, %swap3A_348], %swap3A_351 {strides = array<i32>} : memref<32x2x7x2x7x256xbf16, #tpu.memory_space<vmem>>, vector<32x1x1x2x7x256xbf16>,
    %get3A_352 = arith.constant 0 : index
    %get3A_353 = arith.constant 10 : index
    %get3A_354 = arith.constant 0 : index
    %get3A_355 = arith.constant 0 : index
    %get3A_356 = vector.load %arg7[%get3A_352, %get3A_353, %get3A_354, %get3A_355] : memref<16x16x16x256xbf16, #tpu.memory_space<vmem>>, vector<16x3x16x256xbf16>
    %reshape3A_357 = vector.shape_cast %get3A_356 : vector<16x3x16x256xbf16> to vector<768x256xbf16>
    %get3A_358 = arith.constant 0 : index
    %get3A_359 = arith.constant 0 : index
    %get3A_360 = vector.load %arg2[%get3A_358, %get3A_359] : memref<448x768xbf16, #tpu.memory_space<vmem>>, vector<448x768xbf16>
    %dot_general3A_361 = arith.constant dense<0.000000e+00> : vector<448x256xf32>
    %dot_general3A_362 = tpu.matmul %get3A_360, %reshape3A_357, %dot_general3A_361 {dimension_numbers = #tpu.dot_dimension_numbers<[1], [0], [0], [1], [0, 0, 1, 1], [], []>, transpose_lhs_hint = false} : vector<448x768xbf16>, vector<768x256xbf16>, vector<448x256xf32> -> vector<448x256xf32>
    %get3A_363 = arith.constant 0 : index
    %get3A_364 = arith.constant 0 : index
    %get3A_365 = vector.load %arg3[%get3A_363, %get3A_364] : memref<448x1xf32, #tpu.memory_space<vmem>>, vector<448x1xf32>
    %add3A_366 = vector.broadcast %get3A_365 : vector<448x1xf32> to vector<448x256xf32>
    %add3A_367 = arith.addf %dot_general3A_362, %add3A_366 : vector<448x256xf32>
    %max3A_368 = arith.constant 0.000000e+00 : f32
    %max3A_369 = vector.broadcast %max3A_368 : f32 to vector<448x256xf32>
    %max3A_370 = arith.maximumf %add3A_367, %max3A_369 : vector<448x256xf32>
    %convert_element_type3A_371 = arith.truncf %max3A_370 : vector<448x256xf32> to vector<448x256xbf16>
    %reshape3A_372 = vector.shape_cast %convert_element_type3A_371 : vector<448x256xbf16> to vector<32x2x7x256xbf16>
    %swap3A_373 = arith.constant 0 : index
    %swap3A_374 = arith.constant 0 : index
    %swap3A_375 = arith.constant 5 : index
    %swap3A_376 = arith.constant 0 : index
    %swap3A_377 = arith.constant 0 : index
    %swap3A_378 = arith.constant 0 : index
    %swap3A_379 = vector.load %arg8[%swap3A_373, %swap3A_374, %swap3A_375, %swap3A_376, %swap3A_377, %swap3A_378] : memref<32x2x7x2x7x256xbf16, #tpu.memory_space<vmem>>, vector<32x1x1x2x7x256xbf16>
    %swap3A_380 = vector.shape_cast %swap3A_379 : vector<32x1x1x2x7x256xbf16> to vector<32x2x7x256xbf16>
    %swap3A_381 = vector.shape_cast %reshape3A_372 : vector<32x2x7x256xbf16> to vector<32x1x1x2x7x256xbf16>
    tpu.vector_store %arg8[%swap3A_373, %swap3A_374, %swap3A_375, %swap3A_376, %swap3A_377, %swap3A_378], %swap3A_381 {strides = array<i32>} : memref<32x2x7x2x7x256xbf16, #tpu.memory_space<vmem>>, vector<32x1x1x2x7x256xbf16>,
    %get3A_382 = arith.constant 0 : index
    %get3A_383 = arith.constant 11 : index
    %get3A_384 = arith.constant 0 : index
    %get3A_385 = arith.constant 0 : index
    %get3A_386 = vector.load %arg7[%get3A_382, %get3A_383, %get3A_384, %get3A_385] : memref<16x16x16x256xbf16, #tpu.memory_space<vmem>>, vector<16x3x16x256xbf16>
    %reshape3A_387 = vector.shape_cast %get3A_386 : vector<16x3x16x256xbf16> to vector<768x256xbf16>
    %get3A_388 = arith.constant 0 : index
    %get3A_389 = arith.constant 0 : index
    %get3A_390 = vector.load %arg2[%get3A_388, %get3A_389] : memref<448x768xbf16, #tpu.memory_space<vmem>>, vector<448x768xbf16>
    %dot_general3A_391 = arith.constant dense<0.000000e+00> : vector<448x256xf32>
    %dot_general3A_392 = tpu.matmul %get3A_390, %reshape3A_387, %dot_general3A_391 {dimension_numbers = #tpu.dot_dimension_numbers<[1], [0], [0], [1], [0, 0, 1, 1], [], []>, transpose_lhs_hint = false} : vector<448x768xbf16>, vector<768x256xbf16>, vector<448x256xf32> -> vector<448x256xf32>
    %get3A_393 = arith.constant 0 : index
    %get3A_394 = arith.constant 0 : index
    %get3A_395 = vector.load %arg3[%get3A_393, %get3A_394] : memref<448x1xf32, #tpu.memory_space<vmem>>, vector<448x1xf32>
    %add3A_396 = vector.broadcast %get3A_395 : vector<448x1xf32> to vector<448x256xf32>
    %add3A_397 = arith.addf %dot_general3A_392, %add3A_396 : vector<448x256xf32>
    %max3A_398 = arith.constant 0.000000e+00 : f32
    %max3A_399 = vector.broadcast %max3A_398 : f32 to vector<448x256xf32>
    %max3A_400 = arith.maximumf %add3A_397, %max3A_399 : vector<448x256xf32>
    %convert_element_type3A_401 = arith.truncf %max3A_400 : vector<448x256xf32> to vector<448x256xbf16>
    %reshape3A_402 = vector.shape_cast %convert_element_type3A_401 : vector<448x256xbf16> to vector<32x2x7x256xbf16>
    %swap3A_403 = arith.constant 0 : index
    %swap3A_404 = arith.constant 1 : index
    %swap3A_405 = arith.constant 5 : index
    %swap3A_406 = arith.constant 0 : index
    %swap3A_407 = arith.constant 0 : index
    %swap3A_408 = arith.constant 0 : index
    %swap3A_409 = vector.load %arg8[%swap3A_403, %swap3A_404, %swap3A_405, %swap3A_406, %swap3A_407, %swap3A_408] : memref<32x2x7x2x7x256xbf16, #tpu.memory_space<vmem>>, vector<32x1x1x2x7x256xbf16>
    %swap3A_410 = vector.shape_cast %swap3A_409 : vector<32x1x1x2x7x256xbf16> to vector<32x2x7x256xbf16>
    %swap3A_411 = vector.shape_cast %reshape3A_402 : vector<32x2x7x256xbf16> to vector<32x1x1x2x7x256xbf16>
    tpu.vector_store %arg8[%swap3A_403, %swap3A_404, %swap3A_405, %swap3A_406, %swap3A_407, %swap3A_408], %swap3A_411 {strides = array<i32>} : memref<32x2x7x2x7x256xbf16, #tpu.memory_space<vmem>>, vector<32x1x1x2x7x256xbf16>,
    %get3A_412 = arith.constant 0 : index
    %get3A_413 = arith.constant 12 : index
    %get3A_414 = arith.constant 0 : index
    %get3A_415 = arith.constant 0 : index
    %get3A_416 = vector.load %arg7[%get3A_412, %get3A_413, %get3A_414, %get3A_415] : memref<16x16x16x256xbf16, #tpu.memory_space<vmem>>, vector<16x3x16x256xbf16>
    %reshape3A_417 = vector.shape_cast %get3A_416 : vector<16x3x16x256xbf16> to vector<768x256xbf16>
    %get3A_418 = arith.constant 0 : index
    %get3A_419 = arith.constant 0 : index
    %get3A_420 = vector.load %arg2[%get3A_418, %get3A_419] : memref<448x768xbf16, #tpu.memory_space<vmem>>, vector<448x768xbf16>
    %dot_general3A_421 = arith.constant dense<0.000000e+00> : vector<448x256xf32>
    %dot_general3A_422 = tpu.matmul %get3A_420, %reshape3A_417, %dot_general3A_421 {dimension_numbers = #tpu.dot_dimension_numbers<[1], [0], [0], [1], [0, 0, 1, 1], [], []>, transpose_lhs_hint = false} : vector<448x768xbf16>, vector<768x256xbf16>, vector<448x256xf32> -> vector<448x256xf32>
    %get3A_423 = arith.constant 0 : index
    %get3A_424 = arith.constant 0 : index
    %get3A_425 = vector.load %arg3[%get3A_423, %get3A_424] : memref<448x1xf32, #tpu.memory_space<vmem>>, vector<448x1xf32>
    %add3A_426 = vector.broadcast %get3A_425 : vector<448x1xf32> to vector<448x256xf32>
    %add3A_427 = arith.addf %dot_general3A_422, %add3A_426 : vector<448x256xf32>
    %max3A_428 = arith.constant 0.000000e+00 : f32
    %max3A_429 = vector.broadcast %max3A_428 : f32 to vector<448x256xf32>
    %max3A_430 = arith.maximumf %add3A_427, %max3A_429 : vector<448x256xf32>
    %convert_element_type3A_431 = arith.truncf %max3A_430 : vector<448x256xf32> to vector<448x256xbf16>
    %reshape3A_432 = vector.shape_cast %convert_element_type3A_431 : vector<448x256xbf16> to vector<32x2x7x256xbf16>
    %swap3A_433 = arith.constant 0 : index
    %swap3A_434 = arith.constant 0 : index
    %swap3A_435 = arith.constant 6 : index
    %swap3A_436 = arith.constant 0 : index
    %swap3A_437 = arith.constant 0 : index
    %swap3A_438 = arith.constant 0 : index
    %swap3A_439 = vector.load %arg8[%swap3A_433, %swap3A_434, %swap3A_435, %swap3A_436, %swap3A_437, %swap3A_438] : memref<32x2x7x2x7x256xbf16, #tpu.memory_space<vmem>>, vector<32x1x1x2x7x256xbf16>
    %swap3A_440 = vector.shape_cast %swap3A_439 : vector<32x1x1x2x7x256xbf16> to vector<32x2x7x256xbf16>
    %swap3A_441 = vector.shape_cast %reshape3A_432 : vector<32x2x7x256xbf16> to vector<32x1x1x2x7x256xbf16>
    tpu.vector_store %arg8[%swap3A_433, %swap3A_434, %swap3A_435, %swap3A_436, %swap3A_437, %swap3A_438], %swap3A_441 {strides = array<i32>} : memref<32x2x7x2x7x256xbf16, #tpu.memory_space<vmem>>, vector<32x1x1x2x7x256xbf16>,
    %get3A_442 = arith.constant 0 : index
    %get3A_443 = arith.constant 13 : index
    %get3A_444 = arith.constant 0 : index
    %get3A_445 = arith.constant 0 : index
    %get3A_446 = vector.load %arg7[%get3A_442, %get3A_443, %get3A_444, %get3A_445] : memref<16x16x16x256xbf16, #tpu.memory_space<vmem>>, vector<16x3x16x256xbf16>
    %reshape3A_447 = vector.shape_cast %get3A_446 : vector<16x3x16x256xbf16> to vector<768x256xbf16>
    %get3A_448 = arith.constant 0 : index
    %get3A_449 = arith.constant 0 : index
    %get3A_450 = vector.load %arg2[%get3A_448, %get3A_449] : memref<448x768xbf16, #tpu.memory_space<vmem>>, vector<448x768xbf16>
    %dot_general3A_451 = arith.constant dense<0.000000e+00> : vector<448x256xf32>
    %dot_general3A_452 = tpu.matmul %get3A_450, %reshape3A_447, %dot_general3A_451 {dimension_numbers = #tpu.dot_dimension_numbers<[1], [0], [0], [1], [0, 0, 1, 1], [], []>, transpose_lhs_hint = false} : vector<448x768xbf16>, vector<768x256xbf16>, vector<448x256xf32> -> vector<448x256xf32>
    %get3A_453 = arith.constant 0 : index
    %get3A_454 = arith.constant 0 : index
    %get3A_455 = vector.load %arg3[%get3A_453, %get3A_454] : memref<448x1xf32, #tpu.memory_space<vmem>>, vector<448x1xf32>
    %add3A_456 = vector.broadcast %get3A_455 : vector<448x1xf32> to vector<448x256xf32>
    %add3A_457 = arith.addf %dot_general3A_452, %add3A_456 : vector<448x256xf32>
    %max3A_458 = arith.constant 0.000000e+00 : f32
    %max3A_459 = vector.broadcast %max3A_458 : f32 to vector<448x256xf32>
    %max3A_460 = arith.maximumf %add3A_457, %max3A_459 : vector<448x256xf32>
    %convert_element_type3A_461 = arith.truncf %max3A_460 : vector<448x256xf32> to vector<448x256xbf16>
    %reshape3A_462 = vector.shape_cast %convert_element_type3A_461 : vector<448x256xbf16> to vector<32x2x7x256xbf16>
    %swap3A_463 = arith.constant 0 : index
    %swap3A_464 = arith.constant 1 : index
    %swap3A_465 = arith.constant 6 : index
    %swap3A_466 = arith.constant 0 : index
    %swap3A_467 = arith.constant 0 : index
    %swap3A_468 = arith.constant 0 : index
    %swap3A_469 = vector.load %arg8[%swap3A_463, %swap3A_464, %swap3A_465, %swap3A_466, %swap3A_467, %swap3A_468] : memref<32x2x7x2x7x256xbf16, #tpu.memory_space<vmem>>, vector<32x1x1x2x7x256xbf16>
    %swap3A_470 = vector.shape_cast %swap3A_469 : vector<32x1x1x2x7x256xbf16> to vector<32x2x7x256xbf16>
    %swap3A_471 = vector.shape_cast %reshape3A_462 : vector<32x2x7x256xbf16> to vector<32x1x1x2x7x256xbf16>
    tpu.vector_store %arg8[%swap3A_463, %swap3A_464, %swap3A_465, %swap3A_466, %swap3A_467, %swap3A_468], %swap3A_471 {strides = array<i32>} : memref<32x2x7x2x7x256xbf16, #tpu.memory_space<vmem>>, vector<32x1x1x2x7x256xbf16>,
    %get3A_472 = arith.constant 0 : index
    %get3A_473 = arith.constant 0 : index
    %get3A_474 = arith.constant 0 : index
    %get3A_475 = arith.constant 0 : index
    %get3A_476 = arith.constant 0 : index
    %get3A_477 = arith.constant 0 : index
    %get3A_478 = vector.load %arg8[%get3A_472, %get3A_473, %get3A_474, %get3A_475, %get3A_476, %get3A_477] : memref<32x2x7x2x7x256xbf16, #tpu.memory_space<vmem>>, vector<32x1x7x1x7x256xbf16>
    %get3A_479 = vector.shape_cast %get3A_478 : vector<32x1x7x1x7x256xbf16> to vector<32x7x7x256xbf16>
    %get3A_480 = arith.constant 0 : index
    %get3A_481 = arith.constant 0 : index
    %get3A_482 = arith.constant 0 : index
    %get3A_483 = arith.constant 1 : index
    %get3A_484 = arith.constant 0 : index
    %get3A_485 = arith.constant 0 : index
    %get3A_486 = vector.load %arg8[%get3A_480, %get3A_481, %get3A_482, %get3A_483, %get3A_484, %get3A_485] : memref<32x2x7x2x7x256xbf16, #tpu.memory_space<vmem>>, vector<32x1x7x1x7x256xbf16>
    %get3A_487 = vector.shape_cast %get3A_486 : vector<32x1x7x1x7x256xbf16> to vector<32x7x7x256xbf16>
    %get3A_488 = arith.constant 0 : index
    %get3A_489 = arith.constant 1 : index
    %get3A_490 = arith.constant 0 : index
    %get3A_491 = arith.constant 0 : index
    %get3A_492 = arith.constant 0 : index
    %get3A_493 = arith.constant 0 : index
    %get3A_494 = vector.load %arg8[%get3A_488, %get3A_489, %get3A_490, %get3A_491, %get3A_492, %get3A_493] : memref<32x2x7x2x7x256xbf16, #tpu.memory_space<vmem>>, vector<32x1x7x1x7x256xbf16>
    %get3A_495 = vector.shape_cast %get3A_494 : vector<32x1x7x1x7x256xbf16> to vector<32x7x7x256xbf16>
    %get3A_496 = arith.constant 0 : index
    %get3A_497 = arith.constant 1 : index
    %get3A_498 = arith.constant 0 : index
    %get3A_499 = arith.constant 1 : index
    %get3A_500 = arith.constant 0 : index
    %get3A_501 = arith.constant 0 : index
    %get3A_502 = vector.load %arg8[%get3A_496, %get3A_497, %get3A_498, %get3A_499, %get3A_500, %get3A_501] : memref<32x2x7x2x7x256xbf16, #tpu.memory_space<vmem>>, vector<32x1x7x1x7x256xbf16>
    %get3A_503 = vector.shape_cast %get3A_502 : vector<32x1x7x1x7x256xbf16> to vector<32x7x7x256xbf16>
    %slice3A_504 = vector.extract_strided_slice %get3A_479 {offsets = [0, 0, 0, 0], sizes = [32, 6, 6, 256], strides = [1, 1, 1, 1]} : vector<32x7x7x256xbf16> to vector<32x6x6x256xbf16>
    %slice3A_505 = vector.extract_strided_slice %get3A_479 {offsets = [0, 0, 1, 0], sizes = [32, 6, 6, 256], strides = [1, 1, 1, 1]} : vector<32x7x7x256xbf16> to vector<32x6x6x256xbf16>
    %slice3A_506 = vector.extract_strided_slice %get3A_479 {offsets = [0, 1, 0, 0], sizes = [32, 6, 6, 256], strides = [1, 1, 1, 1]} : vector<32x7x7x256xbf16> to vector<32x6x6x256xbf16>
    %slice3A_507 = vector.extract_strided_slice %get3A_479 {offsets = [0, 1, 1, 0], sizes = [32, 6, 6, 256], strides = [1, 1, 1, 1]} : vector<32x7x7x256xbf16> to vector<32x6x6x256xbf16>
    %slice3A_508 = vector.extract_strided_slice %get3A_487 {offsets = [0, 0, 0, 0], sizes = [32, 6, 6, 256], strides = [1, 1, 1, 1]} : vector<32x7x7x256xbf16> to vector<32x6x6x256xbf16>
    %slice3A_509 = vector.extract_strided_slice %get3A_487 {offsets = [0, 1, 0, 0], sizes = [32, 6, 6, 256], strides = [1, 1, 1, 1]} : vector<32x7x7x256xbf16> to vector<32x6x6x256xbf16>
    %slice3A_510 = vector.extract_strided_slice %get3A_495 {offsets = [0, 0, 0, 0], sizes = [32, 6, 6, 256], strides = [1, 1, 1, 1]} : vector<32x7x7x256xbf16> to vector<32x6x6x256xbf16>
    %slice3A_511 = vector.extract_strided_slice %get3A_495 {offsets = [0, 0, 1, 0], sizes = [32, 6, 6, 256], strides = [1, 1, 1, 1]} : vector<32x7x7x256xbf16> to vector<32x6x6x256xbf16>
    %slice3A_512 = vector.extract_strided_slice %get3A_503 {offsets = [0, 0, 0, 0], sizes = [32, 6, 6, 256], strides = [1, 1, 1, 1]} : vector<32x7x7x256xbf16> to vector<32x6x6x256xbf16>
    %max3A_513 = arith.maximumf %slice3A_504, %slice3A_505 : vector<32x6x6x256xbf16>
    %max3A_514 = arith.maximumf %max3A_513, %slice3A_506 : vector<32x6x6x256xbf16>
    %max3A_515 = arith.maximumf %max3A_514, %slice3A_507 : vector<32x6x6x256xbf16>
    %max3A_516 = arith.maximumf %max3A_515, %slice3A_508 : vector<32x6x6x256xbf16>
    %max3A_517 = arith.maximumf %max3A_516, %slice3A_509 : vector<32x6x6x256xbf16>
    %max3A_518 = arith.maximumf %max3A_517, %slice3A_510 : vector<32x6x6x256xbf16>
    %max3A_519 = arith.maximumf %max3A_518, %slice3A_511 : vector<32x6x6x256xbf16>
    %max3A_520 = arith.maximumf %max3A_519, %slice3A_512 : vector<32x6x6x256xbf16>
    %reshape3A_521 = vector.shape_cast %max3A_520 : vector<32x6x6x256xbf16> to vector<1152x256xbf16>
    %get3A_522 = arith.constant 0 : index
    %get3A_523 = arith.constant 0 : index
    %get3A_524 = vector.load %arg4[%get3A_522, %get3A_523] : memref<16x1152xbf16, #tpu.memory_space<vmem>>, vector<16x1152xbf16>
    %dot_general3A_525 = arith.constant dense<0.000000e+00> : vector<16x256xf32>
    %dot_general3A_526 = tpu.matmul %get3A_524, %reshape3A_521, %dot_general3A_525 {dimension_numbers = #tpu.dot_dimension_numbers<[1], [0], [0], [1], [0, 0, 1, 1], [], []>, transpose_lhs_hint = false} : vector<16x1152xbf16>, vector<1152x256xbf16>, vector<16x256xf32> -> vector<16x256xf32>
    %get3A_527 = arith.constant 0 : index
    %get3A_528 = arith.constant 0 : index
    %get3A_529 = vector.load %arg5[%get3A_527, %get3A_528] : memref<16x1xf32, #tpu.memory_space<vmem>>, vector<16x1xf32>
    %add3A_530 = vector.broadcast %get3A_529 : vector<16x1xf32> to vector<16x256xf32>
    %add3A_531 = arith.addf %dot_general3A_526, %add3A_530 : vector<16x256xf32>
    %max3A_532 = arith.constant 0.000000e+00 : f32
    %max3A_533 = vector.broadcast %max3A_532 : f32 to vector<16x256xf32>
    %max3A_534 = arith.maximumf %add3A_531, %max3A_533 : vector<16x256xf32>
    %swap3A_535 = arith.constant 0 : index
    %swap3A_536 = arith.constant 0 : index
    %swap3A_537 = vector.load %arg6[%swap3A_535, %swap3A_536] : memref<16x256xf32, #tpu.memory_space<vmem>>, vector<16x256xf32>
    tpu.vector_store %arg6[%swap3A_535, %swap3A_536], %max3A_534 {strides = array<i32>} : memref<16x256xf32, #tpu.memory_space<vmem>>, vector<16x256xf32>,
    return
  }
  func.func @transform_0(%arg0: i32) -> (i32, i32, i32, i32, i32, i32) {
    %c0_i32 = arith.constant 0 : i32
    %c0_i32_0 = arith.constant 0 : i32
    %c0_i32_1 = arith.constant 0 : i32
    %c0_i32_2 = arith.constant 0 : i32
    %c0_i32_3 = arith.constant 0 : i32
    %c0_i32_4 = arith.constant 0 : i32
    return %c0_i32, %c0_i32_0, %c0_i32_1, %c0_i32_2, %c0_i32_3, %arg0 : i32, i32, i32, i32, i32, i32
  }
  func.func @transform_1(%arg0: i32) -> (i32, i32) {
    %c0_i32 = arith.constant 0 : i32
    %c0_i32_0 = arith.constant 0 : i32
    %c0_i32_1 = arith.constant 0 : i32
    return %c0_i32, %c0_i32_0 : i32, i32
  }
  func.func @transform_2(%arg0: i32) -> (i32, i32) {
    %c0_i32 = arith.constant 0 : i32
    %c0_i32_0 = arith.constant 0 : i32
    %c0_i32_1 = arith.constant 0 : i32
    return %c0_i32, %c0_i32_0 : i32, i32
  }
  func.func @transform_3(%arg0: i32) -> (i32, i32) {
    %c0_i32 = arith.constant 0 : i32
    %c0_i32_0 = arith.constant 0 : i32
    %c0_i32_1 = arith.constant 0 : i32
    return %c0_i32, %c0_i32_0 : i32, i32
  }
  func.func @transform_4(%arg0: i32) -> (i32, i32) {
    %c0_i32 = arith.constant 0 : i32
    %c0_i32_0 = arith.constant 0 : i32
    %c0_i32_1 = arith.constant 0 : i32
    return %c0_i32, %c0_i32_0 : i32, i32
  }
  func.func @transform_5(%arg0: i32) -> (i32, i32) {
    %c0_i32 = arith.constant 0 : i32
    %c0_i32_0 = arith.constant 0 : i32
    return %c0_i32, %arg0 : i32, i32
  }
}

module attributes {stable_mosaic.version = 14 : i64} {
  func.func @_lstm_body(%arg0: memref<8x1xi32, #tpu.memory_space<vmem>>, %arg1: memref<1024x128xf32, #tpu.memory_space<vmem>>, %arg2: memref<128x1024xf32, #tpu.memory_space<vmem>>, %arg3: memref<256x1024xf32, #tpu.memory_space<vmem>>, %arg4: memref<1x1024xf32, #tpu.memory_space<vmem>>, %arg5: memref<256x64xf32, #tpu.memory_space<vmem>>, %arg6: memref<1x64xf32, #tpu.memory_space<vmem>>, %arg7: memref<8x64xf32, #tpu.memory_space<vmem>>, %arg8: memref<8x256xf32, #tpu.memory_space<vmem>>, %arg9: memref<1024x1024xf32, #tpu.memory_space<vmem>>) attributes {dimension_semantics = [], scalar_prefetch = 0 : i64, scratch_operands = 1 : i64, tpu.core_type = #tpu.core_type<tc>} {
    %get3A = arith.constant 0 : index
    %get3A_0 = arith.constant 0 : index
    %get3A_1 = vector.load %arg1[%get3A, %get3A_0] : memref<1024x128xf32, #tpu.memory_space<vmem>>, vector<1024x128xf32>
    %get3A_2 = arith.constant 0 : index
    %get3A_3 = arith.constant 0 : index
    %get3A_4 = vector.load %arg2[%get3A_2, %get3A_3] : memref<128x1024xf32, #tpu.memory_space<vmem>>, vector<128x1024xf32>
    %dot_general3A = arith.constant dense<0.000000e+00> : vector<1024x1024xf32>
    %dot_general3A_5 = tpu.matmul %get3A_1, %get3A_4, %dot_general3A {dimension_numbers = #tpu.dot_dimension_numbers<[1], [0], [0], [1], [0, 0, 1, 1], [], []>, transpose_lhs_hint = false} : vector<1024x128xf32>, vector<128x1024xf32>, vector<1024x1024xf32> -> vector<1024x1024xf32>
    %swap3A = arith.constant 0 : index
    %swap3A_6 = arith.constant 0 : index
    %swap3A_7 = vector.load %arg9[%swap3A, %swap3A_6] : memref<1024x1024xf32, #tpu.memory_space<vmem>>, vector<1024x1024xf32>
    tpu.vector_store %arg9[%swap3A, %swap3A_6], %dot_general3A_5 {strides = array<i32>} : memref<1024x1024xf32, #tpu.memory_space<vmem>>, vector<1024x1024xf32>,
    %get3A_8 = arith.constant 0 : index
    %get3A_9 = arith.constant 0 : index
    %get3A_10 = vector.load %arg0[%get3A_8, %get3A_9] : memref<8x1xi32, #tpu.memory_space<vmem>>, vector<8x1xi32>
    %reduce_max3A = vector.shape_cast %get3A_10 : vector<8x1xi32> to vector<1x8x1xi32>
    %reduce_max3A_11 = arith.constant dense<-2147483648> : vector<1xi32>
    %reduce_max3A_12 = vector.multi_reduction <maxsi>, %reduce_max3A, %reduce_max3A_11 [1, 2] : vector<1x8x1xi32> to vector<1xi32>
    %reduce_max3A_13 = vector.shape_cast %reduce_max3A_12 : vector<1xi32> to vector<1x1x1xi32>
    %reduce_max3A_14 = vector.extract %reduce_max3A_13[0, 0, 0] : i32 from vector<1x1x1xi32>
    %get3A_15 = arith.constant 0 : index
    %get3A_16 = arith.constant 0 : index
    %get3A_17 = vector.load %arg3[%get3A_15, %get3A_16] : memref<256x1024xf32, #tpu.memory_space<vmem>>, vector<256x1024xf32>
    %get3A_18 = arith.constant 0 : index
    %get3A_19 = arith.constant 0 : index
    %get3A_20 = vector.load %arg4[%get3A_18, %get3A_19] : memref<1x1024xf32, #tpu.memory_space<vmem>>, vector<1x1024xf32>
    %broadcast_in_dim3A = arith.constant 0.000000e+00 : f32
    %broadcast_in_dim3A_21 = vector.broadcast %broadcast_in_dim3A : f32 to vector<8x256xf32>
    %broadcast_in_dim3A_22 = arith.constant 0.000000e+00 : f32
    %broadcast_in_dim3A_23 = vector.broadcast %broadcast_in_dim3A_22 : f32 to vector<8x256xf32>
    %while3A = arith.constant 0 : i32
    %while3A_24 = arith.subi %reduce_max3A_14, %while3A : i32
    %while3A_25 = arith.addi %while3A, %while3A_24 : i32
    %while3A_26 = arith.constant 1 : i32
    %while3A_27 = arith.divsi %while3A_24, %while3A_26 : i32
    %while3A_28 = arith.muli %while3A_27, %while3A_26 : i32
    %while3A_29 = arith.addi %while3A, %while3A_28 : i32
    %while3A_30 = arith.constant 1 : i32
    %while3A_31:2 = scf.for %while3A_49 = %while3A to %while3A_29 step %while3A_30 iter_args(%while3A_50 = %broadcast_in_dim3A_21, %while3A_51 = %broadcast_in_dim3A_23) -> (vector<8x256xf32>, vector<8x256xf32>)  : i32 {
      %mul3A = arith.constant 8 : i32
      %mul3A_52 = arith.muli %while3A_49, %mul3A : i32
      %get3A_53 = arith.index_cast %mul3A_52 : i32 to index
      %get3A_54 = arith.constant 0 : index
      %get3A_55 = vector.load %arg9[%get3A_53, %get3A_54] : memref<1024x1024xf32, #tpu.memory_space<vmem>>, vector<8x1024xf32>
      %dot_general3A_56 = arith.constant dense<0.000000e+00> : vector<8x1024xf32>
      %dot_general3A_57 = tpu.matmul %while3A_50, %get3A_17, %dot_general3A_56 {dimension_numbers = #tpu.dot_dimension_numbers<[1], [0], [0], [1], [0, 0, 1, 1], [], []>, transpose_lhs_hint = false} : vector<8x256xf32>, vector<256x1024xf32>, vector<8x1024xf32> -> vector<8x1024xf32>
      %add3A_58 = arith.addf %get3A_55, %dot_general3A_57 : vector<8x1024xf32>
      %add3A_59 = vector.broadcast %get3A_20 : vector<1x1024xf32> to vector<8x1024xf32>
      %add3A_60 = arith.addf %add3A_58, %add3A_59 : vector<8x1024xf32>
      %slice3A = vector.extract_strided_slice %add3A_60 {offsets = [0, 0], sizes = [8, 256], strides = [1, 1]} : vector<8x1024xf32> to vector<8x256xf32>
      %logistic3A = arith.negf %slice3A : vector<8x256xf32>
      %logistic3A_61 = math.exp %logistic3A : vector<8x256xf32>
      %logistic3A_62 = arith.constant 1.000000e+00 : f32
      %logistic3A_63 = vector.broadcast %logistic3A_62 : f32 to vector<8x256xf32>
      %logistic3A_64 = arith.addf %logistic3A_63, %logistic3A_61 : vector<8x256xf32>
      %logistic3A_65 = arith.divf %logistic3A_63, %logistic3A_64 : vector<8x256xf32>
      %slice3A_66 = vector.extract_strided_slice %add3A_60 {offsets = [0, 256], sizes = [8, 256], strides = [1, 1]} : vector<8x1024xf32> to vector<8x256xf32>
      %logistic3A_67 = arith.negf %slice3A_66 : vector<8x256xf32>
      %logistic3A_68 = math.exp %logistic3A_67 : vector<8x256xf32>
      %logistic3A_69 = arith.constant 1.000000e+00 : f32
      %logistic3A_70 = vector.broadcast %logistic3A_69 : f32 to vector<8x256xf32>
      %logistic3A_71 = arith.addf %logistic3A_70, %logistic3A_68 : vector<8x256xf32>
      %logistic3A_72 = arith.divf %logistic3A_70, %logistic3A_71 : vector<8x256xf32>
      %slice3A_73 = vector.extract_strided_slice %add3A_60 {offsets = [0, 512], sizes = [8, 256], strides = [1, 1]} : vector<8x1024xf32> to vector<8x256xf32>
      %tanh3A = math.tanh %slice3A_73 : vector<8x256xf32>
      %slice3A_74 = vector.extract_strided_slice %add3A_60 {offsets = [0, 768], sizes = [8, 256], strides = [1, 1]} : vector<8x1024xf32> to vector<8x256xf32>
      %logistic3A_75 = arith.negf %slice3A_74 : vector<8x256xf32>
      %logistic3A_76 = math.exp %logistic3A_75 : vector<8x256xf32>
      %logistic3A_77 = arith.constant 1.000000e+00 : f32
      %logistic3A_78 = vector.broadcast %logistic3A_77 : f32 to vector<8x256xf32>
      %logistic3A_79 = arith.addf %logistic3A_78, %logistic3A_76 : vector<8x256xf32>
      %logistic3A_80 = arith.divf %logistic3A_78, %logistic3A_79 : vector<8x256xf32>
      %mul3A_81 = arith.mulf %logistic3A_65, %while3A_51 : vector<8x256xf32>
      %mul3A_82 = arith.mulf %logistic3A_72, %tanh3A : vector<8x256xf32>
      %add3A_83 = arith.addf %mul3A_81, %mul3A_82 : vector<8x256xf32>
      %tanh3A_84 = math.tanh %add3A_83 : vector<8x256xf32>
      %mul3A_85 = arith.mulf %logistic3A_80, %tanh3A_84 : vector<8x256xf32>
      %gt3A = vector.broadcast %while3A_49 : i32 to vector<8x1xi32>
      %gt3A_86 = arith.cmpi sgt, %get3A_10, %gt3A : vector<8x1xi32>
      %broadcast_in_dim3A_87 = vector.shape_cast %gt3A_86 : vector<8x1xi1> to vector<8x1xi1>
      %broadcast_in_dim3A_88 = vector.broadcast %broadcast_in_dim3A_87 : vector<8x1xi1> to vector<8x256xi1>
      %select_n3A = arith.select %broadcast_in_dim3A_88, %mul3A_85, %while3A_50 : vector<8x256xi1>, vector<8x256xf32>
      %broadcast_in_dim3A_89 = vector.shape_cast %gt3A_86 : vector<8x1xi1> to vector<8x1xi1>
      %broadcast_in_dim3A_90 = vector.broadcast %broadcast_in_dim3A_89 : vector<8x1xi1> to vector<8x256xi1>
      %select_n3A_91 = arith.select %broadcast_in_dim3A_90, %add3A_83, %while3A_51 : vector<8x256xi1>, vector<8x256xf32>
      scf.yield %select_n3A, %select_n3A_91 : vector<8x256xf32>, vector<8x256xf32>
    }
    %while3A_32 = arith.constant 1 : i32
    %while3A_33:2 = scf.for %while3A_49 = %while3A_29 to %while3A_25 step %while3A_32 iter_args(%while3A_50 = %while3A_31#0, %while3A_51 = %while3A_31#1) -> (vector<8x256xf32>, vector<8x256xf32>)  : i32 {
      %mul3A = arith.constant 8 : i32
      %mul3A_52 = arith.muli %while3A_49, %mul3A : i32
      %get3A_53 = arith.index_cast %mul3A_52 : i32 to index
      %get3A_54 = arith.constant 0 : index
      %get3A_55 = vector.load %arg9[%get3A_53, %get3A_54] : memref<1024x1024xf32, #tpu.memory_space<vmem>>, vector<8x1024xf32>
      %dot_general3A_56 = arith.constant dense<0.000000e+00> : vector<8x1024xf32>
      %dot_general3A_57 = tpu.matmul %while3A_50, %get3A_17, %dot_general3A_56 {dimension_numbers = #tpu.dot_dimension_numbers<[1], [0], [0], [1], [0, 0, 1, 1], [], []>, transpose_lhs_hint = false} : vector<8x256xf32>, vector<256x1024xf32>, vector<8x1024xf32> -> vector<8x1024xf32>
      %add3A_58 = arith.addf %get3A_55, %dot_general3A_57 : vector<8x1024xf32>
      %add3A_59 = vector.broadcast %get3A_20 : vector<1x1024xf32> to vector<8x1024xf32>
      %add3A_60 = arith.addf %add3A_58, %add3A_59 : vector<8x1024xf32>
      %slice3A = vector.extract_strided_slice %add3A_60 {offsets = [0, 0], sizes = [8, 256], strides = [1, 1]} : vector<8x1024xf32> to vector<8x256xf32>
      %logistic3A = arith.negf %slice3A : vector<8x256xf32>
      %logistic3A_61 = math.exp %logistic3A : vector<8x256xf32>
      %logistic3A_62 = arith.constant 1.000000e+00 : f32
      %logistic3A_63 = vector.broadcast %logistic3A_62 : f32 to vector<8x256xf32>
      %logistic3A_64 = arith.addf %logistic3A_63, %logistic3A_61 : vector<8x256xf32>
      %logistic3A_65 = arith.divf %logistic3A_63, %logistic3A_64 : vector<8x256xf32>
      %slice3A_66 = vector.extract_strided_slice %add3A_60 {offsets = [0, 256], sizes = [8, 256], strides = [1, 1]} : vector<8x1024xf32> to vector<8x256xf32>
      %logistic3A_67 = arith.negf %slice3A_66 : vector<8x256xf32>
      %logistic3A_68 = math.exp %logistic3A_67 : vector<8x256xf32>
      %logistic3A_69 = arith.constant 1.000000e+00 : f32
      %logistic3A_70 = vector.broadcast %logistic3A_69 : f32 to vector<8x256xf32>
      %logistic3A_71 = arith.addf %logistic3A_70, %logistic3A_68 : vector<8x256xf32>
      %logistic3A_72 = arith.divf %logistic3A_70, %logistic3A_71 : vector<8x256xf32>
      %slice3A_73 = vector.extract_strided_slice %add3A_60 {offsets = [0, 512], sizes = [8, 256], strides = [1, 1]} : vector<8x1024xf32> to vector<8x256xf32>
      %tanh3A = math.tanh %slice3A_73 : vector<8x256xf32>
      %slice3A_74 = vector.extract_strided_slice %add3A_60 {offsets = [0, 768], sizes = [8, 256], strides = [1, 1]} : vector<8x1024xf32> to vector<8x256xf32>
      %logistic3A_75 = arith.negf %slice3A_74 : vector<8x256xf32>
      %logistic3A_76 = math.exp %logistic3A_75 : vector<8x256xf32>
      %logistic3A_77 = arith.constant 1.000000e+00 : f32
      %logistic3A_78 = vector.broadcast %logistic3A_77 : f32 to vector<8x256xf32>
      %logistic3A_79 = arith.addf %logistic3A_78, %logistic3A_76 : vector<8x256xf32>
      %logistic3A_80 = arith.divf %logistic3A_78, %logistic3A_79 : vector<8x256xf32>
      %mul3A_81 = arith.mulf %logistic3A_65, %while3A_51 : vector<8x256xf32>
      %mul3A_82 = arith.mulf %logistic3A_72, %tanh3A : vector<8x256xf32>
      %add3A_83 = arith.addf %mul3A_81, %mul3A_82 : vector<8x256xf32>
      %tanh3A_84 = math.tanh %add3A_83 : vector<8x256xf32>
      %mul3A_85 = arith.mulf %logistic3A_80, %tanh3A_84 : vector<8x256xf32>
      %gt3A = vector.broadcast %while3A_49 : i32 to vector<8x1xi32>
      %gt3A_86 = arith.cmpi sgt, %get3A_10, %gt3A : vector<8x1xi32>
      %broadcast_in_dim3A_87 = vector.shape_cast %gt3A_86 : vector<8x1xi1> to vector<8x1xi1>
      %broadcast_in_dim3A_88 = vector.broadcast %broadcast_in_dim3A_87 : vector<8x1xi1> to vector<8x256xi1>
      %select_n3A = arith.select %broadcast_in_dim3A_88, %mul3A_85, %while3A_50 : vector<8x256xi1>, vector<8x256xf32>
      %broadcast_in_dim3A_89 = vector.shape_cast %gt3A_86 : vector<8x1xi1> to vector<8x1xi1>
      %broadcast_in_dim3A_90 = vector.broadcast %broadcast_in_dim3A_89 : vector<8x1xi1> to vector<8x256xi1>
      %select_n3A_91 = arith.select %broadcast_in_dim3A_90, %add3A_83, %while3A_51 : vector<8x256xi1>, vector<8x256xf32>
      scf.yield %select_n3A, %select_n3A_91 : vector<8x256xf32>, vector<8x256xf32>
    }
    %get3A_34 = arith.constant 0 : index
    %get3A_35 = arith.constant 0 : index
    %get3A_36 = vector.load %arg5[%get3A_34, %get3A_35] : memref<256x64xf32, #tpu.memory_space<vmem>>, vector<256x64xf32>
    %dot_general3A_37 = arith.constant dense<0.000000e+00> : vector<8x64xf32>
    %dot_general3A_38 = tpu.matmul %while3A_33#0, %get3A_36, %dot_general3A_37 {dimension_numbers = #tpu.dot_dimension_numbers<[1], [0], [0], [1], [0, 0, 1, 1], [], []>, transpose_lhs_hint = false} : vector<8x256xf32>, vector<256x64xf32>, vector<8x64xf32> -> vector<8x64xf32>
    %get3A_39 = arith.constant 0 : index
    %get3A_40 = arith.constant 0 : index
    %get3A_41 = vector.load %arg6[%get3A_39, %get3A_40] : memref<1x64xf32, #tpu.memory_space<vmem>>, vector<1x64xf32>
    %add3A = vector.broadcast %get3A_41 : vector<1x64xf32> to vector<8x64xf32>
    %add3A_42 = arith.addf %dot_general3A_38, %add3A : vector<8x64xf32>
    %swap3A_43 = arith.constant 0 : index
    %swap3A_44 = arith.constant 0 : index
    %swap3A_45 = vector.load %arg7[%swap3A_43, %swap3A_44] : memref<8x64xf32, #tpu.memory_space<vmem>>, vector<8x64xf32>
    tpu.vector_store %arg7[%swap3A_43, %swap3A_44], %add3A_42 {strides = array<i32>} : memref<8x64xf32, #tpu.memory_space<vmem>>, vector<8x64xf32>,
    %swap3A_46 = arith.constant 0 : index
    %swap3A_47 = arith.constant 0 : index
    %swap3A_48 = vector.load %arg8[%swap3A_46, %swap3A_47] : memref<8x256xf32, #tpu.memory_space<vmem>>, vector<8x256xf32>
    tpu.vector_store %arg8[%swap3A_46, %swap3A_47], %while3A_33#0 {strides = array<i32>} : memref<8x256xf32, #tpu.memory_space<vmem>>, vector<8x256xf32>,
    return
  }
}

</mosaic_0001>

<sc_bundles>
// kernel: sparse-core-data-format-call.cloned.1.call-start
scs
called_computation_lowered:
.L_overlay_start_0:
0x0: {  	s1 =	sld [smem:$0x3FD9]  }
0x1: {  	s2 =	sld [smem:$0x3FFE];
	_ =	sdelay $0x1  }
0x2: {  	s3 =	srdreg.scid  }
0x3: {  	s0 =	sand.u32 $0x1, s3  }
0x4: {  	s17 =	sshll.u32 s0, $0xA;
	s1 =	sadd.s32 s2, s1  }
0x5: {  	s1 =	sadd.s32 s1, s17  }
0x6: {  	[smem:$0x3FB5] =	sst s1  }
0x7: {  	_ = 	snop  }
0x8: {  	(tm) =	ssettm $0x1  }
0x9: {  	s18 =	sld [smem:$0x3FFB];
	_ =	sdelay $0x3  }
0xa: {  	_ =	strace s18  }
0xb: {  	s1 =	sld [smem:$0x3FFC];
	_ =	sdelay $0x3  }
0xc: {  	_ =	strace s1  }
0xd: {  	s1 =	sld [smem:$0x3FFD];
	_ =	sdelay $0x3  }
0xe: {  	_ =	strace s1  }
0xf: {  	_ =	strace $0x8FFFFFFF  }
0x10: {  	s19 =	sld [smem:$0x3FDB];
	_ =	sdelay $0x1  }
0x11: {  	s20 =	simm.s32 $_scs_section_size  }
0x12: {  	s4 =	simm.s32 $_size__tile_overlayer_lowered;
	s5 =	simm.s32 $_tile_overlayer_lowered  }
0x13: {  	s23 =	simm.s32 $0x1BFF;
	s22 =	sshll.u32 s5, $0x1;
	s1 =	sadd.s32 s20, s19  }
0x14: {  	s6 =	simm.s32 $0x0;
	s21 =	sshll.u32 s4, $0x1;
	s4 =	sadd.s32 s22, s1  }
0x15: {  	[timem:s6], [sflag:s23] =	dma.local [hbm:s4], s21  }
0x16: {  	_ =	swait.ge [sflag:s23], s21  }
0x17: {  	s2 =	ssub.s32 $0x0, s21;
	[sflag:s23] =	ssyncset.done $0x0  }
0x18: {  	[sflag:s23] =	ssyncadd.s32 s2;
	_ =	sdelay $0x1  }
0x19: {  	s24 =	simm.s32 $0x1B8B  }
0x1a: {  	_ =	swait.ge [sflag:s24], $0x1  }
0x1b: {  	[sflag:s24] =	ssyncset.done $0x0  }
0x1c: {  	s26 =	simm.s32 $0x1B8E;
	s25 =	sld [smem:$0x3FFE];
	[sflag:s24] =	ssyncadd.s32 $0xFFFFFFFF  }
0x1d: {  	s27 =	simm.s32 $execute0_lowered;
	[smem:$0x3FD2] =	sst s26  }
0x1e: {  	s4 =	sshll.u32 s27, $0x1;
	_ =	strace $0x80000046;
	[dreg:$0x1] =	wrdreg $0xFFFFFFFF  }
0x1f: {  	s28 =	simm.s32 $_size_execute0_lowered;
	s1 =	sadd.s32 s1, s4;
	[dreg:$0x0] =	wrdreg $0x0  }
0x20: {  	s4 =	sshll.u32 s28, $0x1;
	[dreg:$0x2] =	wrdreg s1  }
0x21: {  	[dreg:$0x3] =	wrdreg s4  }
0x22: {  	[dreg:$0x4] =	wrdreg $0xC0  }
0x23: {  	_ =	task [dreg:s6], $0x5FFFF  }
0x24: {  	[dreg:$0x1] =	wrdreg $0xFFFFFFFF  }
0x25: {  	[dreg:$0x0] =	wrdreg $0x60  }
0x26: {  	[dreg:$0x2] =	wrdreg s25  }
0x27: {  	[dreg:$0x3] =	wrdreg $0x9  }
0x28: {  	_ =	task.clear_ibuf [dreg:s6], $0x4FFFF;
	_ =	strace $0x90000046  }
0x29: {  	s29 =	simm.s32 $0x9;
	_ =	strace $0x80000048  }
0x2a: {  	_ =	swait.ge [sflag:s29], $0x1  }
0x2b: {  	[sflag:s29] =	ssyncadd.s32 $0xFFFFFFFF  }
0x2c: {  	_ =	strace $0x90000048  }
0x2d: {  	_ =	sfence  }
0x2e: {  	s30 =	sld [smem:$0x0];
	_ =	sdelay $0x2  }
0x2f: {  	s31 =	sshll.u32 s3, $0xD;
	s3 =	sshrl.u32 s3, $0x2  }
0x30: {  	s2 =	sand.u32 $0x4000, s31;
	s1 =	sadd.s32 s3, s30  }
0x31: {  	s0 =	sor.u32 s2, s0;
	s1 =	sshll.u32 s1, $0x11  }
0x32: {  	s0 =	sor.u32 s1, s0  }
0x33: {  	s0 =	sadd.s32 $0x8F2B, s0  }
0x34: {  	[sflag:s0] =	ssyncadd.remote.s32 $0x1  }
0x35: {  	_ =	sfence.sel $0xFFFF  }
0x36: {  	[dreg:$0x0] =	wrdreg $0xFFFFFFFF;
	(pc) =	sbr.abs _section_cstart, $3  }
0x37: {  	[dreg:$0x1] =	wrdreg $0xFFFFFFFF  }
0x38: {  	_ =	task.clear_ibuf [dreg:s6], $0x2FFFF;
	_ =	strace $0x9FFFFFFF  }
0x39: {  	(tm) =	ssettm $0x7FFFFFFF  }
tec
execute0_lowered:
.L_overlay_start_1:
0x0: {  	(tag) =	ssettag $0x1  }
0x1: {  	s1 =	srdreg.scid  }
0x2: {  	s0 =	stileid.u32;
	s1 =	sshll.u32 s1, $0x4  }
0x3: {  	s31 =	sshll.u32 s0, $0x7;
	s2 =	sor.u32 s0, s1  }
0x4: {  	s7 =	rddreg [dreg:$0x0];
	s1 =	sand.u32 $0x380, s31;
	s2 =	sshrl.u32 s2, $0x2  }
0x5: {  	s8 =	simm.s32 $0x2;
	s3 =	ssub.s32 $0x400, s1;
	s2 =	sand.u32 $0x6, s2  }
0x6: {  	s14 =	simm.s32 $0x0;
	s4 =	sand.u32 $0x380, s3;
	s5 =	ssub.s32 $0x80, s2  }
0x7: {  	p0 =	sne.s32 s4, $0x0;
	s4 =	simm.s32 $0x1;
	s6 =	sand.u32 $0x6, s5  }
0x8: {  	s4 =	simm.s32 @!p0 $0x0;
	p0 =	sne.s32 s6, $0x0;
	s6 =	simm.s32 $0x1  }
0x9: {  	s3 =	sshrl.u32 s3, $0xA;
	s5 =	sshrl.u32 s5, $0x3;
	s6 =	simm.s32 @!p0 $0x0  }
0xa: {  	s9 =	simm.s32 $0x1000;
	s4 =	sadd.s32 s4, s3;
	s5 =	sadd.s32 s6, s5  }
0xb: {  	s16 =	simm.s32 $0x0;
	s15 =	simm.s32 $0x0;
	s6 =	smul.u32 s5, s4  }
.Ltmp0:
0xc: {  	s11 =	simm.s32 $0x0;
	s13 =	simm.s32 $0x0;
	(pc) =	sbr.rel .LBB1_1-.Ltmp0, $4  }
0xd: {  	s12 =	smov.u32 s1;
	s10 =	smov.u32 s2;
	s3 =	rddreg [dreg:$0x1]  }
0xe: {  	_ =	strace $0x80000047;
	s5 =	simm.s32 $0x1;
	s6 =	smul.u32 $0x3, s6  }
0xf: {  	p0 =	por $0x0, $0x0;
	s4 =	sadd.s32 $0x4400, s7;
	[sflag:s5] =	ssyncpa.u1 $0x0  }
0x10: {  	s7 =	sadd.s32 $0x304400, s7;
	[sflag:s8] =	ssyncpa.u1 $0x0;
	s8 =	sadd.s32 $0x1, s6  }
.LBB1_4:
0x11: {  	v11 =	vld [tilespmem:s20+$0xFFFFFFE0];
	v12 =	vcombine.low v6, v7  }
0x12: {  	v3 =	vperm.xlane.i2c.b16 v3;
	[tilespmem:s22+$0x3870 ss:$0x81] =	vst.msk $0xffff, v9;
	v45 =	vld [tilespmem:s20+$0xFFFFFFF0];
	v4 =	vperm.xlane.i2c.b16 v4  }
0x13: {  	v46 =	vcombine.high v6, v7;
	[tilespmem:s19+$0x2040 ss:$0x81] =	vst.msk $0xffff, v10;
	v47 =	vld [tilespmem:s20+$0x0];
	v5 =	vperm.xlane.i2c.b16 v5  }
0x14: {  	v49 =	vld [tilespmem:s20+$0x10];
	v1 =	vperm.xlane.i2c.b16 v1;
	[tilespmem:s22+$0x810 ss:$0x81] =	vst.msk $0xffff, v12;
	v48 =	vcombine.low v8, v3  }
0x15: {  	v51 =	vld [tilespmem:s20+$0xFFFFFFC0];
	v58 =	vperm.xlane.i2c.b16 v2;
	v50 =	vcombine.low v4, v0;
	[tilespmem:s22+$0x2850 ss:$0x81] =	vst.msk $0xffff, v46  }
0x16: {  	s28 =	sshra.s32 s21, $0x2;
	v3 =	vcombine.high v8, v3;
	v52 =	vcombine.low v1, v5;
	[tilespmem:s22+$0x1020 ss:$0x81] =	vst.msk $0xffff, v48  }
0x17: {  	s17 =	sadd.s32 s28, s17;
	v1 =	vcombine.high v1, v5;
	v55 =	vcombine.high v4, v0;
	[tilespmem:s22+$0x0 ss:$0x81] =	vst.msk $0xffff, v50  }
0x18: {  	[tilespmem:s17+$0x1830 ss:$0x81] =	vst.msk $0xffff, v52;
	v11 =	vperm.xlane.i2c.b16 v11;
	v53 =	vperm.xlane.i2c.b16 v45  }
0x19: {  	[tilespmem:s22+$0x3060 ss:$0x81] =	vst.msk $0xffff, v3;
	v54 =	vperm.xlane.i2c.b16 v47;
	v57 =	vperm.xlane.i2c.b16 v49  }
0x1a: {  	[tilespmem:s17+$0x3870 ss:$0x81] =	vst.msk $0xffff, v1;
	v60 =	vperm.xlane.i2c.b16 v51;
	v56 =	vcombine.low v11, v53  }
0x1b: {  	[tilespmem:s22+$0x2040 ss:$0x81] =	vst.msk $0xffff, v55;
	v61 =	vcombine.low v54, v57  }
0x1c: {  	v63 =	vcombine.low v60, v58;
	[tilespmem:s17+$0x810 ss:$0x81] =	vst.msk $0xffff, v56  }
0x1d: {  	s16 =	sshll.u32 s16, $0x14;
	s29 =	sshrl.u32 s15, $0x1;
	v59 =	vcombine.high v11, v53;
	[tilespmem:s17+$0x1020 ss:$0x81] =	vst.msk $0xffff, v61  }
0x1e: {  	s30 =	sshrl.u32 s15, $0x3;
	s19 =	sand.u32 $0x1FC0, s29;
	s16 =	sadd.s32 s7, s16;
	v62 =	vcombine.high v54, v57;
	[tilespmem:s17+$0x0 ss:$0x81] =	vst.msk $0xffff, v63  }
0x1f: {  	s31 =	sand.u32 $0x7, s15;
	s20 =	sand.u32 $0xF, s30;
	s16 =	sadd.s32 s19, s16;
	v0 =	vcombine.high v60, v58;
	[tilespmem:s17+$0x2850 ss:$0x81] =	vst.msk $0xffff, v59  }
0x20: {  	s14 =	sshll.u32 s14, $0xD;
	s15 =	sshll.u32 s31, $0x12;
	s16 =	sadd.s32 s20, s16;
	[tilespmem:s17+$0x3060 ss:$0x81] =	vst.msk $0xffff, v62  }
0x21: {  	s15 =	sor.u32 $0x200, s15;
	s14 =	sadd.s32 s14, s16;
	[tilespmem:s17+$0x2040 ss:$0x81] =	vst.msk $0xffff, v0  }
0x22: {  	[hbm4b:s14+s15] =	stream.strided.scatter [tilespmem:s18], [sflag:$0x2], $0x4000, s9, s15, $0x20;
	[tilespmem:$0x10100] =	vst v63  }
.LBB1_5:
0x23: {  	s17 =	sadd.s32 $0x8, s10  }
0x24: {  	s14 =	simm.s32 $0x1;
	p2 =	sgt.s32 s17, $0x7F  }
0x25: {  	s14 =	simm.s32 @!p2 $0x0  }
0x26: {  	s18 =	sadd.s32 s14, s11  }
0x27: {  	s20 =	smov.u32 s12;
	s14 =	sadd.s32 $0x400, s12;
	p3 =	sgt.s32 s18, $0x2  }
0x28: {  	s20 =	smov.u32 @p3 s14  }
0x29: {  	p1 =	slt.u32 s13, $0x2;
	s17 =	smov.u32 @p2 s2;
	p2 =	sgt.s32 s20, $0x3FF  }
0x2a: {  	s19 =	simm.s32 @!p1 $0x2;
	s20 =	smov.u32 @p2 s1;
	p2 =	sne.s32 s13, s8  }
.Ltmp1:
0x2b: {  	_ =	swait.ge @!p1 [sflag:s19], $0x4000;
	(pc) =	sbr.rel @!p2 .LBB1_6-.Ltmp1, $4  }
0x2c: {  	s16 =	smov.u32 s11;
	[sflag:s19] =	ssyncset.done @!p1 $0x0  }
0x2d: {  	s15 =	smov.u32 s12;
	p0 =	por !p0, !p0;
	[sflag:s19] =	ssyncadd.s32 @!p1 $0xFFFFC000  }
0x2e: {  	s18 =	simm.s32 @p3 $0x0;
	s14 =	smov.u32 s10;
	s10 =	smov.u32 s17  }
0x2f: {  	s11 =	smov.u32 s18;
	s13 =	sadd.s32 $0x1, s13;
	s12 =	smov.u32 s20  }
.LBB1_1:
0x30: {  	p1 =	sge.u32 s13, s6  }
0x31: {  	s17 =	smul.u32 @!p1 $0xC00, s12  }
0x32: {  	s31 =	sadd.s32 $0xFFFFFFFF, s13;
	s18 =	sshll.u32 @!p1 s11, $0xA;
	s19 =	sshll.u32 @!p1 s10, $0x3  }
0x33: {  	s20 =	sxor.u32 @!p1 $0xFFFFFFFF, s13;
	s19 =	sand.u32 @!p1 $0x3F0, s19;
	s17 =	sadd.s32 @!p1 s4, s17  }
0x34: {  	s17 =	sadd.s32 @!p1 s18, s17;
	s18 =	sshll.u32 @!p1 s20, $0xE;
	s20 =	simm.s32 @!p1 $0x6000  }
0x35: {  	s17 =	sadd.s32 @!p1 s19, s17;
	s18 =	sand.u32 @!p1 $0x4000, s18;
	s19 =	simm.s32 @!p1 $0x80  }
0x36: {  	[tilespmem:s18], [sflag:$0x1] =	stream.strided.gather @!p1 [hbm4b:s17+s19], $0x4000, s20, s19, $0x38;
	[tilespmem:$0x10100] =	vst v63  }
0x37: {  	p1 =	sge.u32 s31, s6  }
.Ltmp2:
0x38: {  	_ = 	snop;
	(pc) =	sbr.rel @p1 .LBB1_5-.Ltmp2, $1  }
0x39: {  	_ =	sdelay $0x3  }
0x3a: {  	s17 =	simm.s32 $0x1  }
0x3b: {  	_ =	swait.ge [sflag:s5], $0x4000;
	s17 =	simm.s32 @!p0 $0x0  }
0x3c: {  	[sflag:s5] =	ssyncset.done $0x0;
	s18 =	sshll.u32 s17, $0xE  }
0x3d: {  	[sflag:s5] =	ssyncadd.s32 $0xFFFFC000;
	s18 =	sor.u32 $0x40, s18  }
0x3e: {  	v0 =	vld [tilespmem:s18+$0x20]  }
0x3f: {  	v1 =	vld [tilespmem:s18+$0x30]  }
0x40: {  	v2 =	vld [tilespmem:s18+$0xFFFFFFD0]  }
0x41: {  	v3 =	vld [tilespmem:s18+$0xFFFFFFE0]  }
0x42: {  	v4 =	vld [tilespmem:s18+$0xFFFFFFF0]  }
0x43: {  	v5 =	vld [tilespmem:s18+$0x0]  }
0x44: {  	v6 =	vld [tilespmem:s18+$0x10]  }
0x45: {  	v7 =	vld [tilespmem:s18+$0xFFFFFFC0]  }
0x46: {  	s17 =	smul.u32 $0x10200, s17;
	v1 =	vperm.xlane.i2c.b16 v1;
	v0 =	vperm.xlane.i2c.b16 v0  }
0x47: {  	s18 =	sadd.s32 $0x80, s18;
	v10 =	vperm.xlane.i2c.b16 v2;
	v3 =	vperm.xlane.i2c.b16 v3  }
0x48: {  	s17 =	sshrl.u32 s17, $0x2;
	v9 =	vld [tilespmem:s18+$0x30];
	v4 =	vperm.xlane.i2c.b16 v4;
	v5 =	vperm.xlane.i2c.b16 v5  }
0x49: {  	s17 =	sor.u32 $0x8000, s17;
	v2 =	vld [tilespmem:s18+$0x20];
	v6 =	vperm.xlane.i2c.b16 v6;
	v8 =	vcombine.low v0, v1  }
0x4a: {  	v12 =	vld [tilespmem:s18+$0xFFFFFFF0];
	s19 =	sadd.s32 $0x0, s17;
	v13 =	vperm.xlane.i2c.b16 v7;
	v11 =	vcombine.low v3, v4  }
0x4b: {  	v0 =	vcombine.high v0, v1;
	v1 =	vld [tilespmem:s18+$0xFFFFFFD0];
	v7 =	vcombine.low v5, v6;
	[tilespmem:s19+$0x1830 ss:$0x81] =	vst.msk $0xffff, v8  }
0x4c: {  	v8 =	vld [tilespmem:s18+$0xFFFFFFE0];
	[tilespmem:s19+$0x810 ss:$0x81] =	vst.msk $0xffff, v11  }
0x4d: {  	v14 =	vld [tilespmem:s18+$0x0];
	v9 =	vperm.xlane.i2c.b16 v9;
	v5 =	vcombine.high v5, v6;
	[tilespmem:s19+$0x1020 ss:$0x81] =	vst.msk $0xffff, v7  }
0x4e: {  	s20 =	sand.u32 $0x1, s13;
	[tilespmem:s19+$0x3870 ss:$0x81] =	vst.msk $0xffff, v0;
	v0 =	vcombine.high v3, v4;
	v3 =	vld [tilespmem:s18+$0x10];
	v2 =	vperm.xlane.i2c.b16 v2  }
0x4f: {  	s21 =	smul.u32 $0x10200, s20;
	s20 =	sadd.s32 $0x80, s18;
	v11 =	vcombine.low v13, v10;
	v7 =	vperm.xlane.i2c.b16 v12;
	v4 =	vld [tilespmem:s18+$0xFFFFFFC0];
	[tilespmem:s19+$0x3060 ss:$0x81] =	vst.msk $0xffff, v5  }
0x50: {  	v5 =	vld [tilespmem:s20+$0x30];
	[tilespmem:s19+$0x2850 ss:$0x81] =	vst.msk $0xffff, v0;
	v0 =	vperm.xlane.i2c.b16 v1;
	v15 =	vcombine.low v2, v9  }
0x51: {  	s31 =	sshrl.u32 s21, $0x2;
	s22 =	sadd.s32 $0x1, s17;
	[tilespmem:s19+$0x0 ss:$0x81] =	vst.msk $0xffff, v11;
	v1 =	vld [tilespmem:s20+$0x20];
	v9 =	vcombine.high v2, v9;
	v6 =	vperm.xlane.i2c.b16 v8  }
0x52: {  	s23 =	simm.s32 $0xC;
	s21 =	simm.s32 $0x8;
	v10 =	vcombine.high v13, v10;
	s18 =	sor.u32 $0x8000, s31;
	v2 =	vld [tilespmem:s20+$0xFFFFFFD0];
	v8 =	vperm.xlane.i2c.b16 v14;
	[tilespmem:s22+$0x1830 ss:$0x81] =	vst.msk $0xffff, v15  }
.LBB1_3:
0x53: {  	p1 =	sne.s32 s23, $0x1FC;
	v11 =	vld [tilespmem:s20+$0xFFFFFFE0];
	v12 =	vcombine.low v6, v7;
	v3 =	vperm.xlane.i2c.b16 v3;
	[tilespmem:s22+$0x3870 ss:$0x81] =	vst.msk $0xffff, v9  }
0x54: {  	v13 =	vperm.xlane.i2c.b16 v4;
	v4 =	vcombine.high v6, v7;
	v9 =	vld [tilespmem:s20+$0xFFFFFFF0];
	[tilespmem:s19+$0x2040 ss:$0x81] =	vst.msk $0xffff, v10;
	s19 =	smov.u32 s22  }
0x55: {  	v10 =	vld [tilespmem:s20+$0x0];
	[tilespmem:s19+$0x810 ss:$0x81] =	vst.msk $0xffff, v12;
	v6 =	vcombine.low v8, v3;
	v7 =	vcombine.high v8, v3  }
.Ltmp3:
0x56: {  	v8 =	vperm.xlane.i2c.b16 v5;
	v12 =	vperm.xlane.i2c.b16 v1;
	v3 =	vld [tilespmem:s20+$0x10];
	[tilespmem:s19+$0x2850 ss:$0x81] =	vst.msk $0xffff, v4;
	(pc) =	sbr.rel @p1 .LBB1_3-.Ltmp3, $4  }
0x57: {  	v14 =	vperm.xlane.i2c.b16 v2;
	v2 =	vcombine.low v13, v0;
	v4 =	vld [tilespmem:s20+$0xFFFFFFC0];
	s20 =	sadd.s32 $0x80, s20;
	[tilespmem:s19+$0x1020 ss:$0x81] =	vst.msk $0xffff, v6  }
0x58: {  	s22 =	sshra.s32 s21, $0x2;
	s21 =	smov.u32 s23;
	v1 =	vld [tilespmem:s20+$0x20];
	v6 =	vperm.xlane.i2c.b16 v11;
	v11 =	vcombine.low v12, v8;
	[tilespmem:s19+$0x3060 ss:$0x81] =	vst.msk $0xffff, v7  }
0x59: {  	s22 =	sadd.s32 s22, s17;
	v5 =	vld [tilespmem:s20+$0x30];
	v7 =	vperm.xlane.i2c.b16 v9;
	v9 =	vcombine.high v12, v8;
	[tilespmem:s19+$0x0 ss:$0x81] =	vst.msk $0xffff, v2  }
0x5a: {  	s23 =	sadd.s32 $0x4, s23;
	v2 =	vld [tilespmem:s20+$0xFFFFFFD0];
	v8 =	vperm.xlane.i2c.b16 v10;
	[tilespmem:s22+$0x1830 ss:$0x81] =	vst.msk $0xffff, v11;
	v10 =	vcombine.high v13, v0;
	v0 =	vmov v14  }
.Ltmp4:
0x5b: {  	_ = 	snop;
	(pc) =	sbr.rel .LBB1_4-.Ltmp4, $1  }
0x5c: {  	_ =	sdelay $0x3  }
.LBB1_6:
0x5d: {  	_ =	sfence.sel $0x180000  }
0x5e: {  	s1 =	simm.s32 $0x1;
	[bflag:$0x0] =	sbarrier.arrive $0xFFFF  }
0x5f: {  	s31 =	simm.s32 $0x2;
	[sflag:s1] =	ssyncpa.u1 $0x1  }
0x60: {  	[sflag:s31] =	ssyncpa.u1 $0x1  }
0x61: {  	p0 =	sne.s32 s0, $0x0;
	_ =	strace $0x90000047  }
0x62: {  	s0 =	sadd.s32 @!p0 $0x100000, s3;
	[bflag:$0x2] =	sbarrier.arrive $0xFFFF  }
0x63: {  	[sflag:s0] =	ssyncadd.tile.s32 @!p0 $0x1;
	_ =	shalt  }
.Lfunc_end1:
_tile_overlayer_lowered:
.L_overlay_start_2:
0x64: {  	(tag) =	ssettag $0x2  }
0x65: {  	s0 =	rddreg [dreg:$0x0];
	s2 =	stileid.u32  }
0x66: {  	s1 =	rddreg [dreg:$0x1];
	p0 =	sne.s32 s2, $0x0  }
0x67: {  	s3 =	rddreg [dreg:$0x2];
	[bflag:$0x3] =	sbarrier.arrive $0xFFFF;
	s2 =	simm.s32 @!p0 $0x1C01  }
0x68: {  	[timem:s3], [sflag:s2] =	dma.local @!p0 [hbm:s0], s1  }
0x69: {  	s0 =	simm.s32 @!p0 $0x1  }
0x6a: {  	_ =	swait.ge @!p0 [sflag:s0], s1  }
0x6b: {  	s1 =	ssub.s32 @!p0 $0x0, s1;
	[sflag:s0] =	ssyncset.done @!p0 $0x0  }
0x6c: {  	[sflag:s0] =	ssyncadd.s32 @!p0 s1  }
0x6d: {  	[bflag:$0x3] =	sbarrier.arrive $0xFFFF  }
0x6e: {  	_ =	shalt  }

</sc_bundles>
